<compile_context>
chip_gen: v7x
topology: tpu7x:2x2x1
jax: 0.10.2.dev20260603
libtpu: 0.0.44.dev20260713+nightly
codegen_flags: <defaults>
</compile_context>

<pallas_src>
import functools

import jax
import jax.numpy as jnp
from jax import lax
from jax.experimental import pallas as pl
from jax.experimental.pallas import tpu as pltpu
from jax.experimental.pallas import tpu_sc as plsc

N = 10000
NP = 10240
E = 160000
D = 256
HALF = 128
NSUB = 16
ROWS_PT = NP // NSUB

KA = 80
EP = 163840
EROWS = EP // KA
NCH_D = EP // 32 // KA

_MESH = plsc.VectorSubcoreMesh(core_axis_name="c", subcore_axis_name="s")


@functools.partial(
    pl.kernel,
    out_type=jax.ShapeDtypeStruct((2 * NP, HALF), jnp.float32),
    mesh=_MESH,
    scratch_types=[
        pltpu.VMEM((NCH_D, KA), jnp.int32),
        pltpu.VMEM((KA,), jnp.int32),
        pltpu.VMEM((KA, HALF), jnp.float32),
        pltpu.VMEM_SHARED((NP, HALF), jnp.float32),
    ],
)
def _sc_deg(dstp_hbm, ones_hbm, zeros_hbm, out_hbm, dstb, dsti_v, ones_v, acc):
    c = lax.axis_index("c")
    s = lax.axis_index("s")
    pltpu.sync_copy(zeros_hbm, acc.at[pl.ds(s * ROWS_PT, ROWS_PT)])
    pltpu.sync_copy(ones_hbm, ones_v)
    pltpu.sync_copy(dstp_hbm.at[pl.ds((c * NSUB + s) * NCH_D, NCH_D)], dstb)
    plsc.subcore_barrier()

    def body(i, _):
        for j in range(KA // 16):
            sl = pl.ds(j * 16, 16)
            dsti_v[sl] = dstb[i, sl]
        pltpu.sync_copy(ones_v, acc.at[dsti_v], add=True)
        return _

    lax.fori_loop(0, NCH_D, body, None)
    plsc.subcore_barrier()
    pltpu.sync_copy(
        acc.at[pl.ds(s * ROWS_PT, ROWS_PT)],
        out_hbm.at[pl.ds(c * NP + s * ROWS_PT, ROWS_PT)],
    )


ECHT = E // NSUB
NAGG = ECHT // KA


@functools.partial(
    pl.kernel,
    out_type=jax.ShapeDtypeStruct((2 * NP, HALF), jnp.float32),
    mesh=_MESH,
    scratch_types=[
        pltpu.VMEM((KA,), jnp.int32),
        pltpu.VMEM((KA,), jnp.int32),
        pltpu.VMEM((KA, HALF), jnp.float32),
        pltpu.SemaphoreType.DMA,
        pltpu.VMEM_SHARED((NP, HALF), jnp.float32),
    ],
)
def _sc_agg(g_hbm, srcf_hbm, dstf_hbm, zeros_hbm, out_hbm,
            ix0, dx0, r0, gs0, acc):
    c = lax.axis_index("c")
    s = lax.axis_index("s")
    pltpu.sync_copy(zeros_hbm, acc.at[pl.ds(s * ROWS_PT, ROWS_PT)])
    tbase = s * ECHT
    plsc.subcore_barrier()

    def body(i, _):
        pltpu.sync_copy(srcf_hbm.at[pl.ds(c * E + tbase + i * KA, KA)], ix0)
        pltpu.sync_copy(dstf_hbm.at[pl.ds(tbase + i * KA, KA)], dx0)
        pltpu.async_copy(g_hbm.at[ix0], r0, gs0).wait()
        pltpu.sync_copy(r0, acc.at[dx0], add=True)
        return _

    lax.fori_loop(0, NAGG, body, None)
    plsc.subcore_barrier()
    pltpu.sync_copy(
        acc.at[pl.ds(s * ROWS_PT, ROWS_PT)],
        out_hbm.at[pl.ds(c * NP + s * ROWS_PT, ROWS_PT)],
    )


BM = 640
NB = NP // BM


def _dis_of(d0, d1):
    deg = d0[:, 0:1] + d1[:, 0:1] + 1.0
    return lax.rsqrt(deg)


def _tc_first_body(x_ref, w_ref, d0_ref, d1_ref, o_ref):
    dis = _dis_of(d0_ref[...], d1_ref[...])
    hw = jnp.dot(x_ref[...], w_ref[...], preferred_element_type=jnp.float32)
    o_ref[...] = hw * dis


def _tc_layer_body(s0, s1, g0, g1, d0, d1, b_ref, w_ref, o_ref):
    dis = _dis_of(d0[...], d1[...])
    h = jnp.concatenate([s0[...] + g0[...], s1[...] + g1[...]], axis=1)
    h = jnp.maximum(dis * h + b_ref[...], 0.0)
    o_ref[...] = jnp.dot(h, w_ref[...], preferred_element_type=jnp.float32) * dis


def _tc_cls_body(s0, s1, g0, g1, d0, d1, b_ref, wc_ref, bc_ref, o_ref):
    dis = _dis_of(d0[...], d1[...])
    h = jnp.concatenate([s0[...] + g0[...], s1[...] + g1[...]], axis=1)
    h = jnp.maximum(dis * h + b_ref[...], 0.0)
    logits = jnp.dot(h, wc_ref[...], preferred_element_type=jnp.float32) + bc_ref[...]
    m = jnp.max(logits, axis=1, keepdims=True)
    lse = m + jnp.log(jnp.sum(jnp.exp(logits - m), axis=1, keepdims=True))
    o_ref[...] = logits - lse


def _row_blk(c, i):
    return (i, 0)


def _row_blk_hi(c, i):
    return (NB + i, 0)


def _deg_specs():
    return [
        pl.BlockSpec((BM, HALF), _row_blk),
        pl.BlockSpec((BM, HALF), _row_blk_hi),
    ]


def _tc_first(x, w, degp):
    return pl.pallas_call(
        _tc_first_body,
        grid=(2, NB),
        in_specs=[
            pl.BlockSpec((BM, D), _row_blk),
            pl.BlockSpec((D, HALF), lambda c, i: (0, c)),
            *_deg_specs(),
        ],
        out_specs=pl.BlockSpec((BM, HALF), lambda c, i: (c * NB + i, 0)),
        out_shape=jax.ShapeDtypeStruct((2 * NP, HALF), jnp.float32),
    )(x, w, degp, degp)


def _tc_layer(scat, gcat, degp, b2d, w):
    return pl.pallas_call(
        _tc_layer_body,
        grid=(2, NB),
        in_specs=[
            pl.BlockSpec((BM, HALF), _row_blk),
            pl.BlockSpec((BM, HALF), _row_blk_hi),
            pl.BlockSpec((BM, HALF), _row_blk),
            pl.BlockSpec((BM, HALF), _row_blk_hi),
            *_deg_specs(),
            pl.BlockSpec((1, D), lambda c, i: (0, 0)),
            pl.BlockSpec((D, HALF), lambda c, i: (0, c)),
        ],
        out_specs=pl.BlockSpec((BM, HALF), lambda c, i: (c * NB + i, 0)),
        out_shape=jax.ShapeDtypeStruct((2 * NP, HALF), jnp.float32),
    )(scat, scat, gcat, gcat, degp, degp, b2d, w)


def _tc_cls(scat, gcat, degp, b2d, wcp, bcp):
    return pl.pallas_call(
        _tc_cls_body,
        grid=(NB,),
        in_specs=[
            pl.BlockSpec((BM, HALF), lambda i: (i, 0)),
            pl.BlockSpec((BM, HALF), lambda i: (NB + i, 0)),
            pl.BlockSpec((BM, HALF), lambda i: (i, 0)),
            pl.BlockSpec((BM, HALF), lambda i: (NB + i, 0)),
            pl.BlockSpec((BM, HALF), lambda i: (i, 0)),
            pl.BlockSpec((BM, HALF), lambda i: (NB + i, 0)),
            pl.BlockSpec((1, D), lambda i: (0, 0)),
            pl.BlockSpec((D, HALF), lambda i: (0, 0)),
            pl.BlockSpec((1, HALF), lambda i: (0, 0)),
        ],
        out_specs=pl.BlockSpec((BM, HALF), lambda i: (i, 0)),
        out_shape=jax.ShapeDtypeStruct((NP, HALF), jnp.float32),
    )(scat, scat, gcat, gcat, degp, degp, b2d, wcp, bcp)


def kernel(x, edge_index, W1, b1, W2, b2, W3, b3, Wc, bc):
    src = edge_index[0].astype(jnp.int32)
    dst = edge_index[1].astype(jnp.int32)
    pad = EP - E
    srcp = jnp.concatenate([src, jnp.zeros((pad,), jnp.int32)])
    dstpad = jnp.concatenate([dst, jnp.full((pad,), NP - 1, jnp.int32)])
    srcf = jnp.concatenate([src, src + NP])
    dstp = dstpad.reshape(EROWS, KA)
    ones_ka = jnp.ones((KA, HALF), jnp.float32)
    zeros128 = jnp.zeros((ROWS_PT, HALF), jnp.float32)
    wcp = jnp.zeros((D, HALF), jnp.float32).at[:, :2].set(Wc)
    bcp = jnp.full((1, HALF), -1e30, jnp.float32).at[0, :2].set(bc)
    x_p = jnp.zeros((NP, D), jnp.float32).at[:N].set(x)

    degp = _sc_deg(dstp, ones_ka, zeros128)
    g = _tc_first(x_p, W1, degp)
    s = _sc_agg(g, srcf, dst, zeros128)
    g = _tc_layer(s, g, degp, b1.reshape(1, D), W2)
    s = _sc_agg(g, srcf, dst, zeros128)
    g = _tc_layer(s, g, degp, b2.reshape(1, D), W3)
    s = _sc_agg(g, srcf, dst, zeros128)
    outp = _tc_cls(s, g, degp, b3.reshape(1, D), wcp, bcp)
    return outp[:N, :2]

# --- scband reference (transcript-rebuilt; emitter-appended) ---
"""Pipeline reference for scband-graph-fraud-detector-23158463660443 (READ-ONLY COPY).

The authoritative reference and input builder live on the scoring server;
editing this copy changes nothing except your own understanding.
"""

import jax, jax.numpy as jnp
import numpy as np

N = 10000
E = 160000
D = 256
H = 256
C = 2

def _glorot(key, shape):
    fan_in, fan_out = shape[0], shape[1]
    limit = np.sqrt(6.0 / (fan_in + fan_out))
    return jax.random.uniform(key, shape, dtype=jnp.float32, minval=-limit, maxval=limit)

def setup_inputs(seed: int = 0) -> dict:
    key = jax.random.key(seed)
    ks = jax.random.split(key, 12)
    x = jax.random.normal(ks[0], (N, D), dtype=jnp.float32)
    edge_index = jax.random.randint(ks[1], (2, E), 0, N)
    W1 = _glorot(ks[2], (D, H)); b1 = jnp.zeros((H,), dtype=jnp.float32)
    W2 = _glorot(ks[3], (H, H)); b2 = jnp.zeros((H,), dtype=jnp.float32)
    W3 = _glorot(ks[4], (H, H)); b3 = jnp.zeros((H,), dtype=jnp.float32)
    Wc = _glorot(ks[5], (H, C)); bc = jnp.zeros((C,), dtype=jnp.float32)
    return {"x": x, "edge_index": edge_index, "W1": W1, "b1": b1, "W2": W2, "b2": b2, "W3": W3, "b3": b3, "Wc": Wc, "bc": bc}

def reference(x, edge_index, W1, b1, W2, b2, W3, b3, Wc, bc):
    # GCN normalization with self-loops (PyG GCNConv semantics, eval mode so dropout is a no-op)
    loops = jnp.arange(N, dtype=edge_index.dtype)
    src = jnp.concatenate([edge_index[0], loops])
    dst = jnp.concatenate([edge_index[1], loops])
    deg = jnp.zeros((N,), dtype=jnp.float32).at[dst].add(1.0)
    deg_inv_sqrt = jnp.where(deg > 0, 1.0 / jnp.sqrt(deg), 0.0)
    norm = deg_inv_sqrt[src] * deg_inv_sqrt[dst]

    def gcn_conv(h, W, b):
        h = h @ W
        msg = h[src] * norm[:, None]
        out = jnp.zeros((N, W.shape[1]), dtype=h.dtype).at[dst].add(msg)
        return out + b

    h = jax.nn.relu(gcn_conv(x, W1, b1))
    h = jax.nn.relu(gcn_conv(h, W2, b2))
    h = jax.nn.relu(gcn_conv(h, W3, b3))
    logits = h @ Wc + bc
    return jax.nn.log_softmax(logits, axis=1)

if __name__ == "__main__":
    import jax
    _d = setup_inputs()
    print(jax.jit(kernel)(*tuple(_d.values())))

</pallas_src>

<mosaic_0001>
#map = affine_map<(d0, d1) -> (0, 0)>
#map1 = affine_map<(d0, d1) -> (0)>
module attributes {stable_mosaic.version = 14 : i64} {
  func.func @_sc_agg(%arg0: i32, %arg1: i32, %arg2: memref<20480x128xf32, #tpu.memory_space<hbm>>, %arg3: memref<320000xi32, #tpu.memory_space<hbm>>, %arg4: memref<160000xi32, #tpu.memory_space<hbm>>, %arg5: memref<640x128xf32, #tpu.memory_space<hbm>>, %arg6: memref<20480x128xf32, #tpu.memory_space<hbm>>, %arg7: memref<80xi32, #tpu.memory_space<vmem>>, %arg8: memref<80xi32, #tpu.memory_space<vmem>>, %arg9: memref<80x128xf32, #tpu.memory_space<vmem>>, %arg10: memref<!tpu.dma_semaphore, #tpu.memory_space<semaphore_mem>>, %arg11: memref<10240x128xf32, #tpu.memory_space<vmem_shared>>) attributes {dimension_semantics = [#tpu.dimension_semantics<core_parallel>, #tpu.dimension_semantics<subcore_parallel>], iteration_bounds = array<i64: 2, 16>, scalar_prefetch = 0 : i64, scratch_operands = 5 : i64, tpu.core_type = #tpu.core_type<sc_vector_subcore>, window_params = [{transform_indices = #map}, {transform_indices = #map1}, {transform_indices = #map1}, {transform_indices = #map}, {transform_indices = #map}]} {
    %mul3A = arith.constant 640 : i32
    %mul3A_0 = arith.muli %arg1, %mul3A : i32
    "tpu.region"() ({
      %run_scoped3A = tpu.sem_alloc : memref<!tpu.dma_semaphore, #tpu.memory_space<semaphore_mem>>
      %dma_start3A = arith.constant 0 : i32
      %dma_start3A_14 = tpu.memref_slice %arg11[%mul3A_0, %dma_start3A] : memref<10240x128xf32, #tpu.memory_space<vmem_shared>> -> memref<640x128xf32, #tpu.memory_space<vmem_shared>>
      tpu.enqueue_dma source(%arg5 : memref<640x128xf32, #tpu.memory_space<hbm>>) target(%dma_start3A_14 : memref<640x128xf32, #tpu.memory_space<vmem_shared>>) target_semaphore(%run_scoped3A : memref<!tpu.dma_semaphore, #tpu.memory_space<semaphore_mem>>)
      %dma_wait3A = arith.constant 0 : i32
      %dma_wait3A_15 = tpu.memref_slice %arg11[%mul3A_0, %dma_wait3A] : memref<10240x128xf32, #tpu.memory_space<vmem_shared>> -> memref<640x128xf32, #tpu.memory_space<vmem_shared>>
      tpu.wait_dma2 semaphore(%run_scoped3A : memref<!tpu.dma_semaphore, #tpu.memory_space<semaphore_mem>>) src(%arg5 : memref<640x128xf32, #tpu.memory_space<hbm>>) dst(%dma_wait3A_15 : memref<640x128xf32, #tpu.memory_space<vmem_shared>>)
      tpu.yield
    }) : () -> ()
    %mul3A_1 = arith.constant 10000 : i32
    %mul3A_2 = arith.muli %arg1, %mul3A_1 : i32
    %barrier3A = arith.constant 0 : index
    tpu.barrier barrier_id(%barrier3A)
    %scan3A = arith.constant 0 : i32
    %scan3A_3 = arith.constant 125 : i32
    %scan3A_4 = arith.addi %scan3A, %scan3A_3 : i32
    %scan3A_5 = arith.constant 1 : i32
    scf.for %scan3A_14 = %scan3A to %scan3A_4 step %scan3A_5  : i32 {
      %mul3A_15 = arith.constant 160000 : i32
      %mul3A_16 = arith.muli %arg0, %mul3A_15 : i32
      %add3A_17 = arith.addi %mul3A_16, %mul3A_2 : i32
      %mul3A_18 = arith.constant 80 : i32
      %mul3A_19 = arith.muli %scan3A_14, %mul3A_18 : i32
      %add3A_20 = arith.addi %add3A_17, %mul3A_19 : i32
      "tpu.region"() ({
        %run_scoped3A = tpu.sem_alloc : memref<!tpu.dma_semaphore, #tpu.memory_space<semaphore_mem>>
        %dma_start3A_28 = tpu.memref_slice %arg3[%add3A_20] : memref<320000xi32, #tpu.memory_space<hbm>> -> memref<80xi32, #tpu.memory_space<hbm>>
        %dma_start3A_29 = tpu.memref_slice %arg3[%add3A_20] : memref<320000xi32, #tpu.memory_space<hbm>> -> memref<80xi32, #tpu.memory_space<hbm>>
        tpu.enqueue_dma source(%dma_start3A_29 : memref<80xi32, #tpu.memory_space<hbm>>) target(%arg7 : memref<80xi32, #tpu.memory_space<vmem>>) target_semaphore(%run_scoped3A : memref<!tpu.dma_semaphore, #tpu.memory_space<semaphore_mem>>)
        %dma_wait3A_30 = tpu.memref_slice %arg3[%add3A_20] : memref<320000xi32, #tpu.memory_space<hbm>> -> memref<80xi32, #tpu.memory_space<hbm>>
        %dma_wait3A_31 = tpu.memref_slice %arg3[%add3A_20] : memref<320000xi32, #tpu.memory_space<hbm>> -> memref<80xi32, #tpu.memory_space<hbm>>
        tpu.wait_dma2 semaphore(%run_scoped3A : memref<!tpu.dma_semaphore, #tpu.memory_space<semaphore_mem>>) src(%dma_wait3A_31 : memref<80xi32, #tpu.memory_space<hbm>>) dst(%arg7 : memref<80xi32, #tpu.memory_space<vmem>>)
        tpu.yield
      }) : () -> ()
      %mul3A_21 = arith.constant 80 : i32
      %mul3A_22 = arith.muli %scan3A_14, %mul3A_21 : i32
      %add3A_23 = arith.addi %mul3A_2, %mul3A_22 : i32
      "tpu.region"() ({
        %run_scoped3A = tpu.sem_alloc : memref<!tpu.dma_semaphore, #tpu.memory_space<semaphore_mem>>
        %dma_start3A_28 = tpu.memref_slice %arg4[%add3A_23] : memref<160000xi32, #tpu.memory_space<hbm>> -> memref<80xi32, #tpu.memory_space<hbm>>
        %dma_start3A_29 = tpu.memref_slice %arg4[%add3A_23] : memref<160000xi32, #tpu.memory_space<hbm>> -> memref<80xi32, #tpu.memory_space<hbm>>
        tpu.enqueue_dma source(%dma_start3A_29 : memref<80xi32, #tpu.memory_space<hbm>>) target(%arg8 : memref<80xi32, #tpu.memory_space<vmem>>) target_semaphore(%run_scoped3A : memref<!tpu.dma_semaphore, #tpu.memory_space<semaphore_mem>>)
        %dma_wait3A_30 = tpu.memref_slice %arg4[%add3A_23] : memref<160000xi32, #tpu.memory_space<hbm>> -> memref<80xi32, #tpu.memory_space<hbm>>
        %dma_wait3A_31 = tpu.memref_slice %arg4[%add3A_23] : memref<160000xi32, #tpu.memory_space<hbm>> -> memref<80xi32, #tpu.memory_space<hbm>>
        tpu.wait_dma2 semaphore(%run_scoped3A : memref<!tpu.dma_semaphore, #tpu.memory_space<semaphore_mem>>) src(%dma_wait3A_31 : memref<80xi32, #tpu.memory_space<hbm>>) dst(%arg8 : memref<80xi32, #tpu.memory_space<vmem>>)
        tpu.yield
      }) : () -> ()
      %dma_start3A = arith.constant 0 : i32
      %dma_start3A_24 = arith.constant 0 : i32
      %dma_start3A_25 = tpu.memref_slice %arg2[%dma_start3A, %dma_start3A_24] : memref<20480x128xf32, #tpu.memory_space<hbm>> -> memref<20480x128xf32, #tpu.memory_space<hbm>>
      tpu.enqueue_indirect_dma source(%dma_start3A_25 : memref<20480x128xf32, #tpu.memory_space<hbm>>) target(%arg9 : memref<80x128xf32, #tpu.memory_space<vmem>>) offsets(%arg7 : memref<80xi32, #tpu.memory_space<vmem>>) semaphore(%arg10 : memref<!tpu.dma_semaphore, #tpu.memory_space<semaphore_mem>>)
      %dma_wait3A = arith.constant 0 : i32
      %dma_wait3A_26 = arith.constant 0 : i32
      %dma_wait3A_27 = tpu.memref_slice %arg2[%dma_wait3A, %dma_wait3A_26] : memref<20480x128xf32, #tpu.memory_space<hbm>> -> memref<20480x128xf32, #tpu.memory_space<hbm>>
      tpu.wait_indirect_dma semaphore(%arg10 : memref<!tpu.dma_semaphore, #tpu.memory_space<semaphore_mem>>) src(%dma_wait3A_27 : memref<20480x128xf32, #tpu.memory_space<hbm>>) dst(%arg9 : memref<80x128xf32, #tpu.memory_space<vmem>>)
      "tpu.region"() ({
        %run_scoped3A = tpu.sem_alloc : memref<!tpu.dma_semaphore, #tpu.memory_space<semaphore_mem>>
        %dma_start3A_28 = arith.constant 0 : i32
        %dma_start3A_29 = arith.constant 0 : i32
        %dma_start3A_30 = tpu.memref_slice %arg11[%dma_start3A_28, %dma_start3A_29] : memref<10240x128xf32, #tpu.memory_space<vmem_shared>> -> memref<10240x128xf32, #tpu.memory_space<vmem_shared>>
        tpu.enqueue_indirect_dma source(%arg9 : memref<80x128xf32, #tpu.memory_space<vmem>>) target(%dma_start3A_30 : memref<10240x128xf32, #tpu.memory_space<vmem_shared>>) offsets(%arg8 : memref<80xi32, #tpu.memory_space<vmem>>) semaphore(%run_scoped3A : memref<!tpu.dma_semaphore, #tpu.memory_space<semaphore_mem>>) {add = true}
        %dma_wait3A_31 = arith.constant 0 : i32
        %dma_wait3A_32 = arith.constant 0 : i32
        %dma_wait3A_33 = tpu.memref_slice %arg11[%dma_wait3A_31, %dma_wait3A_32] : memref<10240x128xf32, #tpu.memory_space<vmem_shared>> -> memref<10240x128xf32, #tpu.memory_space<vmem_shared>>
        tpu.wait_indirect_dma semaphore(%run_scoped3A : memref<!tpu.dma_semaphore, #tpu.memory_space<semaphore_mem>>) src(%arg9 : memref<80x128xf32, #tpu.memory_space<vmem>>) dst(%dma_wait3A_33 : memref<10240x128xf32, #tpu.memory_space<vmem_shared>>)
        tpu.yield
      }) : () -> ()
    }
    %scan3A_6 = arith.constant 125 : i32
    %barrier3A_7 = arith.constant 0 : index
    tpu.barrier barrier_id(%barrier3A_7)
    %mul3A_8 = arith.constant 640 : i32
    %mul3A_9 = arith.muli %arg1, %mul3A_8 : i32
    %mul3A_10 = arith.constant 10240 : i32
    %mul3A_11 = arith.muli %arg0, %mul3A_10 : i32
    %mul3A_12 = arith.constant 640 : i32
    %mul3A_13 = arith.muli %arg1, %mul3A_12 : i32
    %add3A = arith.addi %mul3A_11, %mul3A_13 : i32
    "tpu.region"() ({
      %run_scoped3A = tpu.sem_alloc : memref<!tpu.dma_semaphore, #tpu.memory_space<semaphore_mem>>
      %dma_start3A = arith.constant 0 : i32
      %dma_start3A_14 = tpu.memref_slice %arg6[%add3A, %dma_start3A] : memref<20480x128xf32, #tpu.memory_space<hbm>> -> memref<640x128xf32, #tpu.memory_space<hbm>>
      %dma_start3A_15 = arith.constant 0 : i32
      %dma_start3A_16 = tpu.memref_slice %arg11[%mul3A_9, %dma_start3A_15] : memref<10240x128xf32, #tpu.memory_space<vmem_shared>> -> memref<640x128xf32, #tpu.memory_space<vmem_shared>>
      tpu.enqueue_dma source(%dma_start3A_16 : memref<640x128xf32, #tpu.memory_space<vmem_shared>>) target(%dma_start3A_14 : memref<640x128xf32, #tpu.memory_space<hbm>>) target_semaphore(%run_scoped3A : memref<!tpu.dma_semaphore, #tpu.memory_space<semaphore_mem>>)
      %dma_wait3A = arith.constant 0 : i32
      %dma_wait3A_17 = tpu.memref_slice %arg6[%add3A, %dma_wait3A] : memref<20480x128xf32, #tpu.memory_space<hbm>> -> memref<640x128xf32, #tpu.memory_space<hbm>>
      %dma_wait3A_18 = arith.constant 0 : i32
      %dma_wait3A_19 = tpu.memref_slice %arg11[%mul3A_9, %dma_wait3A_18] : memref<10240x128xf32, #tpu.memory_space<vmem_shared>> -> memref<640x128xf32, #tpu.memory_space<vmem_shared>>
      tpu.wait_dma2 semaphore(%run_scoped3A : memref<!tpu.dma_semaphore, #tpu.memory_space<semaphore_mem>>) src(%dma_wait3A_19 : memref<640x128xf32, #tpu.memory_space<vmem_shared>>) dst(%dma_wait3A_17 : memref<640x128xf32, #tpu.memory_space<hbm>>)
      tpu.yield
    }) : () -> ()
    return
  }
}

#map = affine_map<(d0, d1) -> (0, 0)>
module attributes {stable_mosaic.version = 14 : i64} {
  func.func @_sc_deg(%arg0: i32, %arg1: i32, %arg2: memref<2048x80xi32, #tpu.memory_space<hbm>>, %arg3: memref<80x128xf32, #tpu.memory_space<hbm>>, %arg4: memref<640x128xf32, #tpu.memory_space<hbm>>, %arg5: memref<20480x128xf32, #tpu.memory_space<hbm>>, %arg6: memref<64x80xi32, #tpu.memory_space<vmem>>, %arg7: memref<80xi32, #tpu.memory_space<vmem>>, %arg8: memref<80x128xf32, #tpu.memory_space<vmem>>, %arg9: memref<10240x128xf32, #tpu.memory_space<vmem_shared>>) attributes {dimension_semantics = [#tpu.dimension_semantics<core_parallel>, #tpu.dimension_semantics<subcore_parallel>], iteration_bounds = array<i64: 2, 16>, scalar_prefetch = 0 : i64, scratch_operands = 4 : i64, tpu.core_type = #tpu.core_type<sc_vector_subcore>, window_params = [{transform_indices = #map}, {transform_indices = #map}, {transform_indices = #map}, {transform_indices = #map}]} {
    %mul3A = arith.constant 640 : i32
    %mul3A_0 = arith.muli %arg1, %mul3A : i32
    "tpu.region"() ({
      %run_scoped3A = tpu.sem_alloc : memref<!tpu.dma_semaphore, #tpu.memory_space<semaphore_mem>>
      %dma_start3A = arith.constant 0 : i32
      %dma_start3A_17 = tpu.memref_slice %arg9[%mul3A_0, %dma_start3A] : memref<10240x128xf32, #tpu.memory_space<vmem_shared>> -> memref<640x128xf32, #tpu.memory_space<vmem_shared>>
      tpu.enqueue_dma source(%arg4 : memref<640x128xf32, #tpu.memory_space<hbm>>) target(%dma_start3A_17 : memref<640x128xf32, #tpu.memory_space<vmem_shared>>) target_semaphore(%run_scoped3A : memref<!tpu.dma_semaphore, #tpu.memory_space<semaphore_mem>>)
      %dma_wait3A = arith.constant 0 : i32
      %dma_wait3A_18 = tpu.memref_slice %arg9[%mul3A_0, %dma_wait3A] : memref<10240x128xf32, #tpu.memory_space<vmem_shared>> -> memref<640x128xf32, #tpu.memory_space<vmem_shared>>
      tpu.wait_dma2 semaphore(%run_scoped3A : memref<!tpu.dma_semaphore, #tpu.memory_space<semaphore_mem>>) src(%arg4 : memref<640x128xf32, #tpu.memory_space<hbm>>) dst(%dma_wait3A_18 : memref<640x128xf32, #tpu.memory_space<vmem_shared>>)
      tpu.yield
    }) : () -> ()
    "tpu.region"() ({
      %run_scoped3A = tpu.sem_alloc : memref<!tpu.dma_semaphore, #tpu.memory_space<semaphore_mem>>
      tpu.enqueue_dma source(%arg3 : memref<80x128xf32, #tpu.memory_space<hbm>>) target(%arg8 : memref<80x128xf32, #tpu.memory_space<vmem>>) target_semaphore(%run_scoped3A : memref<!tpu.dma_semaphore, #tpu.memory_space<semaphore_mem>>)
      tpu.wait_dma2 semaphore(%run_scoped3A : memref<!tpu.dma_semaphore, #tpu.memory_space<semaphore_mem>>) src(%arg3 : memref<80x128xf32, #tpu.memory_space<hbm>>) dst(%arg8 : memref<80x128xf32, #tpu.memory_space<vmem>>)
      tpu.yield
    }) : () -> ()
    %mul3A_1 = arith.constant 16 : i32
    %mul3A_2 = arith.muli %arg0, %mul3A_1 : i32
    %add3A = arith.addi %mul3A_2, %arg1 : i32
    %mul3A_3 = arith.constant 64 : i32
    %mul3A_4 = arith.muli %add3A, %mul3A_3 : i32
    "tpu.region"() ({
      %run_scoped3A = tpu.sem_alloc : memref<!tpu.dma_semaphore, #tpu.memory_space<semaphore_mem>>
      %dma_start3A = arith.constant 0 : i32
      %dma_start3A_17 = tpu.memref_slice %arg2[%mul3A_4, %dma_start3A] : memref<2048x80xi32, #tpu.memory_space<hbm>> -> memref<64x80xi32, #tpu.memory_space<hbm>>
      %dma_start3A_18 = arith.constant 0 : i32
      %dma_start3A_19 = tpu.memref_slice %arg2[%mul3A_4, %dma_start3A_18] : memref<2048x80xi32, #tpu.memory_space<hbm>> -> memref<64x80xi32, #tpu.memory_space<hbm>>
      tpu.enqueue_dma source(%dma_start3A_19 : memref<64x80xi32, #tpu.memory_space<hbm>>) target(%arg6 : memref<64x80xi32, #tpu.memory_space<vmem>>) target_semaphore(%run_scoped3A : memref<!tpu.dma_semaphore, #tpu.memory_space<semaphore_mem>>)
      %dma_wait3A = arith.constant 0 : i32
      %dma_wait3A_20 = tpu.memref_slice %arg2[%mul3A_4, %dma_wait3A] : memref<2048x80xi32, #tpu.memory_space<hbm>> -> memref<64x80xi32, #tpu.memory_space<hbm>>
      %dma_wait3A_21 = arith.constant 0 : i32
      %dma_wait3A_22 = tpu.memref_slice %arg2[%mul3A_4, %dma_wait3A_21] : memref<2048x80xi32, #tpu.memory_space<hbm>> -> memref<64x80xi32, #tpu.memory_space<hbm>>
      tpu.wait_dma2 semaphore(%run_scoped3A : memref<!tpu.dma_semaphore, #tpu.memory_space<semaphore_mem>>) src(%dma_wait3A_22 : memref<64x80xi32, #tpu.memory_space<hbm>>) dst(%arg6 : memref<64x80xi32, #tpu.memory_space<vmem>>)
      tpu.yield
    }) : () -> ()
    %barrier3A = arith.constant 0 : index
    tpu.barrier barrier_id(%barrier3A)
    %scan3A = arith.constant 0 : i32
    %scan3A_5 = arith.constant 64 : i32
    %scan3A_6 = arith.addi %scan3A, %scan3A_5 : i32
    %scan3A_7 = arith.constant 1 : i32
    scf.for %scan3A_17 = %scan3A to %scan3A_6 step %scan3A_7  : i32 {
      %get3A = arith.index_cast %scan3A_17 : i32 to index
      %get3A_18 = arith.constant 0 : index
      %get3A_19 = tpu.vector_load %arg6[%get3A, %get3A_18] {strides = array<i32>} : memref<64x80xi32, #tpu.memory_space<vmem>>, vector<1x16xi32>,
      %get3A_20 = vector.shape_cast %get3A_19 : vector<1x16xi32> to vector<16xi32>
      %swap3A = arith.constant 0 : index
      %swap3A_21 = tpu.vector_load %arg7[%swap3A] {strides = array<i32>} : memref<80xi32, #tpu.memory_space<vmem>>, vector<16xi32>,
      %swap3A_22 = vector.shape_cast %swap3A_21 : vector<16xi32> to vector<16xi32>
      %swap3A_23 = vector.shape_cast %get3A_20 : vector<16xi32> to vector<16xi32>
      tpu.vector_store %arg7[%swap3A], %swap3A_23 {strides = array<i32>} : memref<80xi32, #tpu.memory_space<vmem>>, vector<16xi32>,
      %get3A_24 = arith.index_cast %scan3A_17 : i32 to index
      %get3A_25 = arith.constant 16 : index
      %get3A_26 = tpu.vector_load %arg6[%get3A_24, %get3A_25] {strides = array<i32>} : memref<64x80xi32, #tpu.memory_space<vmem>>, vector<1x16xi32>,
      %get3A_27 = vector.shape_cast %get3A_26 : vector<1x16xi32> to vector<16xi32>
      %swap3A_28 = arith.constant 16 : index
      %swap3A_29 = tpu.vector_load %arg7[%swap3A_28] {strides = array<i32>} : memref<80xi32, #tpu.memory_space<vmem>>, vector<16xi32>,
      %swap3A_30 = vector.shape_cast %swap3A_29 : vector<16xi32> to vector<16xi32>
      %swap3A_31 = vector.shape_cast %get3A_27 : vector<16xi32> to vector<16xi32>
      tpu.vector_store %arg7[%swap3A_28], %swap3A_31 {strides = array<i32>} : memref<80xi32, #tpu.memory_space<vmem>>, vector<16xi32>,
      %get3A_32 = arith.index_cast %scan3A_17 : i32 to index
      %get3A_33 = arith.constant 32 : index
      %get3A_34 = tpu.vector_load %arg6[%get3A_32, %get3A_33] {strides = array<i32>} : memref<64x80xi32, #tpu.memory_space<vmem>>, vector<1x16xi32>,
      %get3A_35 = vector.shape_cast %get3A_34 : vector<1x16xi32> to vector<16xi32>
      %swap3A_36 = arith.constant 32 : index
      %swap3A_37 = tpu.vector_load %arg7[%swap3A_36] {strides = array<i32>} : memref<80xi32, #tpu.memory_space<vmem>>, vector<16xi32>,
      %swap3A_38 = vector.shape_cast %swap3A_37 : vector<16xi32> to vector<16xi32>
      %swap3A_39 = vector.shape_cast %get3A_35 : vector<16xi32> to vector<16xi32>
      tpu.vector_store %arg7[%swap3A_36], %swap3A_39 {strides = array<i32>} : memref<80xi32, #tpu.memory_space<vmem>>, vector<16xi32>,
      %get3A_40 = arith.index_cast %scan3A_17 : i32 to index
      %get3A_41 = arith.constant 48 : index
      %get3A_42 = tpu.vector_load %arg6[%get3A_40, %get3A_41] {strides = array<i32>} : memref<64x80xi32, #tpu.memory_space<vmem>>, vector<1x16xi32>,
      %get3A_43 = vector.shape_cast %get3A_42 : vector<1x16xi32> to vector<16xi32>
      %swap3A_44 = arith.constant 48 : index
      %swap3A_45 = tpu.vector_load %arg7[%swap3A_44] {strides = array<i32>} : memref<80xi32, #tpu.memory_space<vmem>>, vector<16xi32>,
      %swap3A_46 = vector.shape_cast %swap3A_45 : vector<16xi32> to vector<16xi32>
      %swap3A_47 = vector.shape_cast %get3A_43 : vector<16xi32> to vector<16xi32>
      tpu.vector_store %arg7[%swap3A_44], %swap3A_47 {strides = array<i32>} : memref<80xi32, #tpu.memory_space<vmem>>, vector<16xi32>,
      %get3A_48 = arith.index_cast %scan3A_17 : i32 to index
      %get3A_49 = arith.constant 64 : index
      %get3A_50 = tpu.vector_load %arg6[%get3A_48, %get3A_49] {strides = array<i32>} : memref<64x80xi32, #tpu.memory_space<vmem>>, vector<1x16xi32>,
      %get3A_51 = vector.shape_cast %get3A_50 : vector<1x16xi32> to vector<16xi32>
      %swap3A_52 = arith.constant 64 : index
      %swap3A_53 = tpu.vector_load %arg7[%swap3A_52] {strides = array<i32>} : memref<80xi32, #tpu.memory_space<vmem>>, vector<16xi32>,
      %swap3A_54 = vector.shape_cast %swap3A_53 : vector<16xi32> to vector<16xi32>
      %swap3A_55 = vector.shape_cast %get3A_51 : vector<16xi32> to vector<16xi32>
      tpu.vector_store %arg7[%swap3A_52], %swap3A_55 {strides = array<i32>} : memref<80xi32, #tpu.memory_space<vmem>>, vector<16xi32>,
      "tpu.region"() ({
        %run_scoped3A = tpu.sem_alloc : memref<!tpu.dma_semaphore, #tpu.memory_space<semaphore_mem>>
        %dma_start3A = arith.constant 0 : i32
        %dma_start3A_56 = arith.constant 0 : i32
        %dma_start3A_57 = tpu.memref_slice %arg9[%dma_start3A, %dma_start3A_56] : memref<10240x128xf32, #tpu.memory_space<vmem_shared>> -> memref<10240x128xf32, #tpu.memory_space<vmem_shared>>
        tpu.enqueue_indirect_dma source(%arg8 : memref<80x128xf32, #tpu.memory_space<vmem>>) target(%dma_start3A_57 : memref<10240x128xf32, #tpu.memory_space<vmem_shared>>) offsets(%arg7 : memref<80xi32, #tpu.memory_space<vmem>>) semaphore(%run_scoped3A : memref<!tpu.dma_semaphore, #tpu.memory_space<semaphore_mem>>) {add = true}
        %dma_wait3A = arith.constant 0 : i32
        %dma_wait3A_58 = arith.constant 0 : i32
        %dma_wait3A_59 = tpu.memref_slice %arg9[%dma_wait3A, %dma_wait3A_58] : memref<10240x128xf32, #tpu.memory_space<vmem_shared>> -> memref<10240x128xf32, #tpu.memory_space<vmem_shared>>
        tpu.wait_indirect_dma semaphore(%run_scoped3A : memref<!tpu.dma_semaphore, #tpu.memory_space<semaphore_mem>>) src(%arg8 : memref<80x128xf32, #tpu.memory_space<vmem>>) dst(%dma_wait3A_59 : memref<10240x128xf32, #tpu.memory_space<vmem_shared>>)
        tpu.yield
      }) : () -> ()
    }
    %scan3A_8 = arith.constant 64 : i32
    %barrier3A_9 = arith.constant 0 : index
    tpu.barrier barrier_id(%barrier3A_9)
    %mul3A_10 = arith.constant 640 : i32
    %mul3A_11 = arith.muli %arg1, %mul3A_10 : i32
    %mul3A_12 = arith.constant 10240 : i32
    %mul3A_13 = arith.muli %arg0, %mul3A_12 : i32
    %mul3A_14 = arith.constant 640 : i32
    %mul3A_15 = arith.muli %arg1, %mul3A_14 : i32
    %add3A_16 = arith.addi %mul3A_13, %mul3A_15 : i32
    "tpu.region"() ({
      %run_scoped3A = tpu.sem_alloc : memref<!tpu.dma_semaphore, #tpu.memory_space<semaphore_mem>>
      %dma_start3A = arith.constant 0 : i32
      %dma_start3A_17 = tpu.memref_slice %arg5[%add3A_16, %dma_start3A] : memref<20480x128xf32, #tpu.memory_space<hbm>> -> memref<640x128xf32, #tpu.memory_space<hbm>>
      %dma_start3A_18 = arith.constant 0 : i32
      %dma_start3A_19 = tpu.memref_slice %arg9[%mul3A_11, %dma_start3A_18] : memref<10240x128xf32, #tpu.memory_space<vmem_shared>> -> memref<640x128xf32, #tpu.memory_space<vmem_shared>>
      tpu.enqueue_dma source(%dma_start3A_19 : memref<640x128xf32, #tpu.memory_space<vmem_shared>>) target(%dma_start3A_17 : memref<640x128xf32, #tpu.memory_space<hbm>>) target_semaphore(%run_scoped3A : memref<!tpu.dma_semaphore, #tpu.memory_space<semaphore_mem>>)
      %dma_wait3A = arith.constant 0 : i32
      %dma_wait3A_20 = tpu.memref_slice %arg5[%add3A_16, %dma_wait3A] : memref<20480x128xf32, #tpu.memory_space<hbm>> -> memref<640x128xf32, #tpu.memory_space<hbm>>
      %dma_wait3A_21 = arith.constant 0 : i32
      %dma_wait3A_22 = tpu.memref_slice %arg9[%mul3A_11, %dma_wait3A_21] : memref<10240x128xf32, #tpu.memory_space<vmem_shared>> -> memref<640x128xf32, #tpu.memory_space<vmem_shared>>
      tpu.wait_dma2 semaphore(%run_scoped3A : memref<!tpu.dma_semaphore, #tpu.memory_space<semaphore_mem>>) src(%dma_wait3A_22 : memref<640x128xf32, #tpu.memory_space<vmem_shared>>) dst(%dma_wait3A_20 : memref<640x128xf32, #tpu.memory_space<hbm>>)
      tpu.yield
    }) : () -> ()
    return
  }
}

#map = affine_map<(d0, d1) -> (0, 0)>
#map1 = affine_map<(d0, d1) -> (0)>
module attributes {stable_mosaic.version = 14 : i64} {
  func.func @_sc_agg(%arg0: i32, %arg1: i32, %arg2: memref<20480x128xf32, #tpu.memory_space<hbm>>, %arg3: memref<320000xi32, #tpu.memory_space<hbm>>, %arg4: memref<160000xi32, #tpu.memory_space<hbm>>, %arg5: memref<640x128xf32, #tpu.memory_space<hbm>>, %arg6: memref<20480x128xf32, #tpu.memory_space<hbm>>, %arg7: memref<80xi32, #tpu.memory_space<vmem>>, %arg8: memref<80xi32, #tpu.memory_space<vmem>>, %arg9: memref<80x128xf32, #tpu.memory_space<vmem>>, %arg10: memref<!tpu.dma_semaphore, #tpu.memory_space<semaphore_mem>>, %arg11: memref<10240x128xf32, #tpu.memory_space<vmem_shared>>) attributes {dimension_semantics = [#tpu.dimension_semantics<core_parallel>, #tpu.dimension_semantics<subcore_parallel>], iteration_bounds = array<i64: 2, 16>, scalar_prefetch = 0 : i64, scratch_operands = 5 : i64, tpu.core_type = #tpu.core_type<sc_vector_subcore>, window_params = [{transform_indices = #map}, {transform_indices = #map1}, {transform_indices = #map1}, {transform_indices = #map}, {transform_indices = #map}]} {
    %mul3A = arith.constant 640 : i32
    %mul3A_0 = arith.muli %arg1, %mul3A : i32
    "tpu.region"() ({
      %run_scoped3A = tpu.sem_alloc : memref<!tpu.dma_semaphore, #tpu.memory_space<semaphore_mem>>
      %dma_start3A = arith.constant 0 : i32
      %dma_start3A_14 = tpu.memref_slice %arg11[%mul3A_0, %dma_start3A] : memref<10240x128xf32, #tpu.memory_space<vmem_shared>> -> memref<640x128xf32, #tpu.memory_space<vmem_shared>>
      tpu.enqueue_dma source(%arg5 : memref<640x128xf32, #tpu.memory_space<hbm>>) target(%dma_start3A_14 : memref<640x128xf32, #tpu.memory_space<vmem_shared>>) target_semaphore(%run_scoped3A : memref<!tpu.dma_semaphore, #tpu.memory_space<semaphore_mem>>)
      %dma_wait3A = arith.constant 0 : i32
      %dma_wait3A_15 = tpu.memref_slice %arg11[%mul3A_0, %dma_wait3A] : memref<10240x128xf32, #tpu.memory_space<vmem_shared>> -> memref<640x128xf32, #tpu.memory_space<vmem_shared>>
      tpu.wait_dma2 semaphore(%run_scoped3A : memref<!tpu.dma_semaphore, #tpu.memory_space<semaphore_mem>>) src(%arg5 : memref<640x128xf32, #tpu.memory_space<hbm>>) dst(%dma_wait3A_15 : memref<640x128xf32, #tpu.memory_space<vmem_shared>>)
      tpu.yield
    }) : () -> ()
    %mul3A_1 = arith.constant 10000 : i32
    %mul3A_2 = arith.muli %arg1, %mul3A_1 : i32
    %barrier3A = arith.constant 0 : index
    tpu.barrier barrier_id(%barrier3A)
    %scan3A = arith.constant 0 : i32
    %scan3A_3 = arith.constant 125 : i32
    %scan3A_4 = arith.addi %scan3A, %scan3A_3 : i32
    %scan3A_5 = arith.constant 1 : i32
    scf.for %scan3A_14 = %scan3A to %scan3A_4 step %scan3A_5  : i32 {
      %mul3A_15 = arith.constant 160000 : i32
      %mul3A_16 = arith.muli %arg0, %mul3A_15 : i32
      %add3A_17 = arith.addi %mul3A_16, %mul3A_2 : i32
      %mul3A_18 = arith.constant 80 : i32
      %mul3A_19 = arith.muli %scan3A_14, %mul3A_18 : i32
      %add3A_20 = arith.addi %add3A_17, %mul3A_19 : i32
      "tpu.region"() ({
        %run_scoped3A = tpu.sem_alloc : memref<!tpu.dma_semaphore, #tpu.memory_space<semaphore_mem>>
        %dma_start3A_28 = tpu.memref_slice %arg3[%add3A_20] : memref<320000xi32, #tpu.memory_space<hbm>> -> memref<80xi32, #tpu.memory_space<hbm>>
        %dma_start3A_29 = tpu.memref_slice %arg3[%add3A_20] : memref<320000xi32, #tpu.memory_space<hbm>> -> memref<80xi32, #tpu.memory_space<hbm>>
        tpu.enqueue_dma source(%dma_start3A_29 : memref<80xi32, #tpu.memory_space<hbm>>) target(%arg7 : memref<80xi32, #tpu.memory_space<vmem>>) target_semaphore(%run_scoped3A : memref<!tpu.dma_semaphore, #tpu.memory_space<semaphore_mem>>)
        %dma_wait3A_30 = tpu.memref_slice %arg3[%add3A_20] : memref<320000xi32, #tpu.memory_space<hbm>> -> memref<80xi32, #tpu.memory_space<hbm>>
        %dma_wait3A_31 = tpu.memref_slice %arg3[%add3A_20] : memref<320000xi32, #tpu.memory_space<hbm>> -> memref<80xi32, #tpu.memory_space<hbm>>
        tpu.wait_dma2 semaphore(%run_scoped3A : memref<!tpu.dma_semaphore, #tpu.memory_space<semaphore_mem>>) src(%dma_wait3A_31 : memref<80xi32, #tpu.memory_space<hbm>>) dst(%arg7 : memref<80xi32, #tpu.memory_space<vmem>>)
        tpu.yield
      }) : () -> ()
      %mul3A_21 = arith.constant 80 : i32
      %mul3A_22 = arith.muli %scan3A_14, %mul3A_21 : i32
      %add3A_23 = arith.addi %mul3A_2, %mul3A_22 : i32
      "tpu.region"() ({
        %run_scoped3A = tpu.sem_alloc : memref<!tpu.dma_semaphore, #tpu.memory_space<semaphore_mem>>
        %dma_start3A_28 = tpu.memref_slice %arg4[%add3A_23] : memref<160000xi32, #tpu.memory_space<hbm>> -> memref<80xi32, #tpu.memory_space<hbm>>
        %dma_start3A_29 = tpu.memref_slice %arg4[%add3A_23] : memref<160000xi32, #tpu.memory_space<hbm>> -> memref<80xi32, #tpu.memory_space<hbm>>
        tpu.enqueue_dma source(%dma_start3A_29 : memref<80xi32, #tpu.memory_space<hbm>>) target(%arg8 : memref<80xi32, #tpu.memory_space<vmem>>) target_semaphore(%run_scoped3A : memref<!tpu.dma_semaphore, #tpu.memory_space<semaphore_mem>>)
        %dma_wait3A_30 = tpu.memref_slice %arg4[%add3A_23] : memref<160000xi32, #tpu.memory_space<hbm>> -> memref<80xi32, #tpu.memory_space<hbm>>
        %dma_wait3A_31 = tpu.memref_slice %arg4[%add3A_23] : memref<160000xi32, #tpu.memory_space<hbm>> -> memref<80xi32, #tpu.memory_space<hbm>>
        tpu.wait_dma2 semaphore(%run_scoped3A : memref<!tpu.dma_semaphore, #tpu.memory_space<semaphore_mem>>) src(%dma_wait3A_31 : memref<80xi32, #tpu.memory_space<hbm>>) dst(%arg8 : memref<80xi32, #tpu.memory_space<vmem>>)
        tpu.yield
      }) : () -> ()
      %dma_start3A = arith.constant 0 : i32
      %dma_start3A_24 = arith.constant 0 : i32
      %dma_start3A_25 = tpu.memref_slice %arg2[%dma_start3A, %dma_start3A_24] : memref<20480x128xf32, #tpu.memory_space<hbm>> -> memref<20480x128xf32, #tpu.memory_space<hbm>>
      tpu.enqueue_indirect_dma source(%dma_start3A_25 : memref<20480x128xf32, #tpu.memory_space<hbm>>) target(%arg9 : memref<80x128xf32, #tpu.memory_space<vmem>>) offsets(%arg7 : memref<80xi32, #tpu.memory_space<vmem>>) semaphore(%arg10 : memref<!tpu.dma_semaphore, #tpu.memory_space<semaphore_mem>>)
      %dma_wait3A = arith.constant 0 : i32
      %dma_wait3A_26 = arith.constant 0 : i32
      %dma_wait3A_27 = tpu.memref_slice %arg2[%dma_wait3A, %dma_wait3A_26] : memref<20480x128xf32, #tpu.memory_space<hbm>> -> memref<20480x128xf32, #tpu.memory_space<hbm>>
      tpu.wait_indirect_dma semaphore(%arg10 : memref<!tpu.dma_semaphore, #tpu.memory_space<semaphore_mem>>) src(%dma_wait3A_27 : memref<20480x128xf32, #tpu.memory_space<hbm>>) dst(%arg9 : memref<80x128xf32, #tpu.memory_space<vmem>>)
      "tpu.region"() ({
        %run_scoped3A = tpu.sem_alloc : memref<!tpu.dma_semaphore, #tpu.memory_space<semaphore_mem>>
        %dma_start3A_28 = arith.constant 0 : i32
        %dma_start3A_29 = arith.constant 0 : i32
        %dma_start3A_30 = tpu.memref_slice %arg11[%dma_start3A_28, %dma_start3A_29] : memref<10240x128xf32, #tpu.memory_space<vmem_shared>> -> memref<10240x128xf32, #tpu.memory_space<vmem_shared>>
        tpu.enqueue_indirect_dma source(%arg9 : memref<80x128xf32, #tpu.memory_space<vmem>>) target(%dma_start3A_30 : memref<10240x128xf32, #tpu.memory_space<vmem_shared>>) offsets(%arg8 : memref<80xi32, #tpu.memory_space<vmem>>) semaphore(%run_scoped3A : memref<!tpu.dma_semaphore, #tpu.memory_space<semaphore_mem>>) {add = true}
        %dma_wait3A_31 = arith.constant 0 : i32
        %dma_wait3A_32 = arith.constant 0 : i32
        %dma_wait3A_33 = tpu.memref_slice %arg11[%dma_wait3A_31, %dma_wait3A_32] : memref<10240x128xf32, #tpu.memory_space<vmem_shared>> -> memref<10240x128xf32, #tpu.memory_space<vmem_shared>>
        tpu.wait_indirect_dma semaphore(%run_scoped3A : memref<!tpu.dma_semaphore, #tpu.memory_space<semaphore_mem>>) src(%arg9 : memref<80x128xf32, #tpu.memory_space<vmem>>) dst(%dma_wait3A_33 : memref<10240x128xf32, #tpu.memory_space<vmem_shared>>)
        tpu.yield
      }) : () -> ()
    }
    %scan3A_6 = arith.constant 125 : i32
    %barrier3A_7 = arith.constant 0 : index
    tpu.barrier barrier_id(%barrier3A_7)
    %mul3A_8 = arith.constant 640 : i32
    %mul3A_9 = arith.muli %arg1, %mul3A_8 : i32
    %mul3A_10 = arith.constant 10240 : i32
    %mul3A_11 = arith.muli %arg0, %mul3A_10 : i32
    %mul3A_12 = arith.constant 640 : i32
    %mul3A_13 = arith.muli %arg1, %mul3A_12 : i32
    %add3A = arith.addi %mul3A_11, %mul3A_13 : i32
    "tpu.region"() ({
      %run_scoped3A = tpu.sem_alloc : memref<!tpu.dma_semaphore, #tpu.memory_space<semaphore_mem>>
      %dma_start3A = arith.constant 0 : i32
      %dma_start3A_14 = tpu.memref_slice %arg6[%add3A, %dma_start3A] : memref<20480x128xf32, #tpu.memory_space<hbm>> -> memref<640x128xf32, #tpu.memory_space<hbm>>
      %dma_start3A_15 = arith.constant 0 : i32
      %dma_start3A_16 = tpu.memref_slice %arg11[%mul3A_9, %dma_start3A_15] : memref<10240x128xf32, #tpu.memory_space<vmem_shared>> -> memref<640x128xf32, #tpu.memory_space<vmem_shared>>
      tpu.enqueue_dma source(%dma_start3A_16 : memref<640x128xf32, #tpu.memory_space<vmem_shared>>) target(%dma_start3A_14 : memref<640x128xf32, #tpu.memory_space<hbm>>) target_semaphore(%run_scoped3A : memref<!tpu.dma_semaphore, #tpu.memory_space<semaphore_mem>>)
      %dma_wait3A = arith.constant 0 : i32
      %dma_wait3A_17 = tpu.memref_slice %arg6[%add3A, %dma_wait3A] : memref<20480x128xf32, #tpu.memory_space<hbm>> -> memref<640x128xf32, #tpu.memory_space<hbm>>
      %dma_wait3A_18 = arith.constant 0 : i32
      %dma_wait3A_19 = tpu.memref_slice %arg11[%mul3A_9, %dma_wait3A_18] : memref<10240x128xf32, #tpu.memory_space<vmem_shared>> -> memref<640x128xf32, #tpu.memory_space<vmem_shared>>
      tpu.wait_dma2 semaphore(%run_scoped3A : memref<!tpu.dma_semaphore, #tpu.memory_space<semaphore_mem>>) src(%dma_wait3A_19 : memref<640x128xf32, #tpu.memory_space<vmem_shared>>) dst(%dma_wait3A_17 : memref<640x128xf32, #tpu.memory_space<hbm>>)
      tpu.yield
    }) : () -> ()
    return
  }
}

#map = affine_map<(d0, d1) -> (0, 0)>
#map1 = affine_map<(d0, d1) -> (0)>
module attributes {stable_mosaic.version = 14 : i64} {
  func.func @_sc_agg(%arg0: i32, %arg1: i32, %arg2: memref<20480x128xf32, #tpu.memory_space<hbm>>, %arg3: memref<320000xi32, #tpu.memory_space<hbm>>, %arg4: memref<160000xi32, #tpu.memory_space<hbm>>, %arg5: memref<640x128xf32, #tpu.memory_space<hbm>>, %arg6: memref<20480x128xf32, #tpu.memory_space<hbm>>, %arg7: memref<80xi32, #tpu.memory_space<vmem>>, %arg8: memref<80xi32, #tpu.memory_space<vmem>>, %arg9: memref<80x128xf32, #tpu.memory_space<vmem>>, %arg10: memref<!tpu.dma_semaphore, #tpu.memory_space<semaphore_mem>>, %arg11: memref<10240x128xf32, #tpu.memory_space<vmem_shared>>) attributes {dimension_semantics = [#tpu.dimension_semantics<core_parallel>, #tpu.dimension_semantics<subcore_parallel>], iteration_bounds = array<i64: 2, 16>, scalar_prefetch = 0 : i64, scratch_operands = 5 : i64, tpu.core_type = #tpu.core_type<sc_vector_subcore>, window_params = [{transform_indices = #map}, {transform_indices = #map1}, {transform_indices = #map1}, {transform_indices = #map}, {transform_indices = #map}]} {
    %mul3A = arith.constant 640 : i32
    %mul3A_0 = arith.muli %arg1, %mul3A : i32
    "tpu.region"() ({
      %run_scoped3A = tpu.sem_alloc : memref<!tpu.dma_semaphore, #tpu.memory_space<semaphore_mem>>
      %dma_start3A = arith.constant 0 : i32
      %dma_start3A_14 = tpu.memref_slice %arg11[%mul3A_0, %dma_start3A] : memref<10240x128xf32, #tpu.memory_space<vmem_shared>> -> memref<640x128xf32, #tpu.memory_space<vmem_shared>>
      tpu.enqueue_dma source(%arg5 : memref<640x128xf32, #tpu.memory_space<hbm>>) target(%dma_start3A_14 : memref<640x128xf32, #tpu.memory_space<vmem_shared>>) target_semaphore(%run_scoped3A : memref<!tpu.dma_semaphore, #tpu.memory_space<semaphore_mem>>)
      %dma_wait3A = arith.constant 0 : i32
      %dma_wait3A_15 = tpu.memref_slice %arg11[%mul3A_0, %dma_wait3A] : memref<10240x128xf32, #tpu.memory_space<vmem_shared>> -> memref<640x128xf32, #tpu.memory_space<vmem_shared>>
      tpu.wait_dma2 semaphore(%run_scoped3A : memref<!tpu.dma_semaphore, #tpu.memory_space<semaphore_mem>>) src(%arg5 : memref<640x128xf32, #tpu.memory_space<hbm>>) dst(%dma_wait3A_15 : memref<640x128xf32, #tpu.memory_space<vmem_shared>>)
      tpu.yield
    }) : () -> ()
    %mul3A_1 = arith.constant 10000 : i32
    %mul3A_2 = arith.muli %arg1, %mul3A_1 : i32
    %barrier3A = arith.constant 0 : index
    tpu.barrier barrier_id(%barrier3A)
    %scan3A = arith.constant 0 : i32
    %scan3A_3 = arith.constant 125 : i32
    %scan3A_4 = arith.addi %scan3A, %scan3A_3 : i32
    %scan3A_5 = arith.constant 1 : i32
    scf.for %scan3A_14 = %scan3A to %scan3A_4 step %scan3A_5  : i32 {
      %mul3A_15 = arith.constant 160000 : i32
      %mul3A_16 = arith.muli %arg0, %mul3A_15 : i32
      %add3A_17 = arith.addi %mul3A_16, %mul3A_2 : i32
      %mul3A_18 = arith.constant 80 : i32
      %mul3A_19 = arith.muli %scan3A_14, %mul3A_18 : i32
      %add3A_20 = arith.addi %add3A_17, %mul3A_19 : i32
      "tpu.region"() ({
        %run_scoped3A = tpu.sem_alloc : memref<!tpu.dma_semaphore, #tpu.memory_space<semaphore_mem>>
        %dma_start3A_28 = tpu.memref_slice %arg3[%add3A_20] : memref<320000xi32, #tpu.memory_space<hbm>> -> memref<80xi32, #tpu.memory_space<hbm>>
        %dma_start3A_29 = tpu.memref_slice %arg3[%add3A_20] : memref<320000xi32, #tpu.memory_space<hbm>> -> memref<80xi32, #tpu.memory_space<hbm>>
        tpu.enqueue_dma source(%dma_start3A_29 : memref<80xi32, #tpu.memory_space<hbm>>) target(%arg7 : memref<80xi32, #tpu.memory_space<vmem>>) target_semaphore(%run_scoped3A : memref<!tpu.dma_semaphore, #tpu.memory_space<semaphore_mem>>)
        %dma_wait3A_30 = tpu.memref_slice %arg3[%add3A_20] : memref<320000xi32, #tpu.memory_space<hbm>> -> memref<80xi32, #tpu.memory_space<hbm>>
        %dma_wait3A_31 = tpu.memref_slice %arg3[%add3A_20] : memref<320000xi32, #tpu.memory_space<hbm>> -> memref<80xi32, #tpu.memory_space<hbm>>
        tpu.wait_dma2 semaphore(%run_scoped3A : memref<!tpu.dma_semaphore, #tpu.memory_space<semaphore_mem>>) src(%dma_wait3A_31 : memref<80xi32, #tpu.memory_space<hbm>>) dst(%arg7 : memref<80xi32, #tpu.memory_space<vmem>>)
        tpu.yield
      }) : () -> ()
      %mul3A_21 = arith.constant 80 : i32
      %mul3A_22 = arith.muli %scan3A_14, %mul3A_21 : i32
      %add3A_23 = arith.addi %mul3A_2, %mul3A_22 : i32
      "tpu.region"() ({
        %run_scoped3A = tpu.sem_alloc : memref<!tpu.dma_semaphore, #tpu.memory_space<semaphore_mem>>
        %dma_start3A_28 = tpu.memref_slice %arg4[%add3A_23] : memref<160000xi32, #tpu.memory_space<hbm>> -> memref<80xi32, #tpu.memory_space<hbm>>
        %dma_start3A_29 = tpu.memref_slice %arg4[%add3A_23] : memref<160000xi32, #tpu.memory_space<hbm>> -> memref<80xi32, #tpu.memory_space<hbm>>
        tpu.enqueue_dma source(%dma_start3A_29 : memref<80xi32, #tpu.memory_space<hbm>>) target(%arg8 : memref<80xi32, #tpu.memory_space<vmem>>) target_semaphore(%run_scoped3A : memref<!tpu.dma_semaphore, #tpu.memory_space<semaphore_mem>>)
        %dma_wait3A_30 = tpu.memref_slice %arg4[%add3A_23] : memref<160000xi32, #tpu.memory_space<hbm>> -> memref<80xi32, #tpu.memory_space<hbm>>
        %dma_wait3A_31 = tpu.memref_slice %arg4[%add3A_23] : memref<160000xi32, #tpu.memory_space<hbm>> -> memref<80xi32, #tpu.memory_space<hbm>>
        tpu.wait_dma2 semaphore(%run_scoped3A : memref<!tpu.dma_semaphore, #tpu.memory_space<semaphore_mem>>) src(%dma_wait3A_31 : memref<80xi32, #tpu.memory_space<hbm>>) dst(%arg8 : memref<80xi32, #tpu.memory_space<vmem>>)
        tpu.yield
      }) : () -> ()
      %dma_start3A = arith.constant 0 : i32
      %dma_start3A_24 = arith.constant 0 : i32
      %dma_start3A_25 = tpu.memref_slice %arg2[%dma_start3A, %dma_start3A_24] : memref<20480x128xf32, #tpu.memory_space<hbm>> -> memref<20480x128xf32, #tpu.memory_space<hbm>>
      tpu.enqueue_indirect_dma source(%dma_start3A_25 : memref<20480x128xf32, #tpu.memory_space<hbm>>) target(%arg9 : memref<80x128xf32, #tpu.memory_space<vmem>>) offsets(%arg7 : memref<80xi32, #tpu.memory_space<vmem>>) semaphore(%arg10 : memref<!tpu.dma_semaphore, #tpu.memory_space<semaphore_mem>>)
      %dma_wait3A = arith.constant 0 : i32
      %dma_wait3A_26 = arith.constant 0 : i32
      %dma_wait3A_27 = tpu.memref_slice %arg2[%dma_wait3A, %dma_wait3A_26] : memref<20480x128xf32, #tpu.memory_space<hbm>> -> memref<20480x128xf32, #tpu.memory_space<hbm>>
      tpu.wait_indirect_dma semaphore(%arg10 : memref<!tpu.dma_semaphore, #tpu.memory_space<semaphore_mem>>) src(%dma_wait3A_27 : memref<20480x128xf32, #tpu.memory_space<hbm>>) dst(%arg9 : memref<80x128xf32, #tpu.memory_space<vmem>>)
      "tpu.region"() ({
        %run_scoped3A = tpu.sem_alloc : memref<!tpu.dma_semaphore, #tpu.memory_space<semaphore_mem>>
        %dma_start3A_28 = arith.constant 0 : i32
        %dma_start3A_29 = arith.constant 0 : i32
        %dma_start3A_30 = tpu.memref_slice %arg11[%dma_start3A_28, %dma_start3A_29] : memref<10240x128xf32, #tpu.memory_space<vmem_shared>> -> memref<10240x128xf32, #tpu.memory_space<vmem_shared>>
        tpu.enqueue_indirect_dma source(%arg9 : memref<80x128xf32, #tpu.memory_space<vmem>>) target(%dma_start3A_30 : memref<10240x128xf32, #tpu.memory_space<vmem_shared>>) offsets(%arg8 : memref<80xi32, #tpu.memory_space<vmem>>) semaphore(%run_scoped3A : memref<!tpu.dma_semaphore, #tpu.memory_space<semaphore_mem>>) {add = true}
        %dma_wait3A_31 = arith.constant 0 : i32
        %dma_wait3A_32 = arith.constant 0 : i32
        %dma_wait3A_33 = tpu.memref_slice %arg11[%dma_wait3A_31, %dma_wait3A_32] : memref<10240x128xf32, #tpu.memory_space<vmem_shared>> -> memref<10240x128xf32, #tpu.memory_space<vmem_shared>>
        tpu.wait_indirect_dma semaphore(%run_scoped3A : memref<!tpu.dma_semaphore, #tpu.memory_space<semaphore_mem>>) src(%arg9 : memref<80x128xf32, #tpu.memory_space<vmem>>) dst(%dma_wait3A_33 : memref<10240x128xf32, #tpu.memory_space<vmem_shared>>)
        tpu.yield
      }) : () -> ()
    }
    %scan3A_6 = arith.constant 125 : i32
    %barrier3A_7 = arith.constant 0 : index
    tpu.barrier barrier_id(%barrier3A_7)
    %mul3A_8 = arith.constant 640 : i32
    %mul3A_9 = arith.muli %arg1, %mul3A_8 : i32
    %mul3A_10 = arith.constant 10240 : i32
    %mul3A_11 = arith.muli %arg0, %mul3A_10 : i32
    %mul3A_12 = arith.constant 640 : i32
    %mul3A_13 = arith.muli %arg1, %mul3A_12 : i32
    %add3A = arith.addi %mul3A_11, %mul3A_13 : i32
    "tpu.region"() ({
      %run_scoped3A = tpu.sem_alloc : memref<!tpu.dma_semaphore, #tpu.memory_space<semaphore_mem>>
      %dma_start3A = arith.constant 0 : i32
      %dma_start3A_14 = tpu.memref_slice %arg6[%add3A, %dma_start3A] : memref<20480x128xf32, #tpu.memory_space<hbm>> -> memref<640x128xf32, #tpu.memory_space<hbm>>
      %dma_start3A_15 = arith.constant 0 : i32
      %dma_start3A_16 = tpu.memref_slice %arg11[%mul3A_9, %dma_start3A_15] : memref<10240x128xf32, #tpu.memory_space<vmem_shared>> -> memref<640x128xf32, #tpu.memory_space<vmem_shared>>
      tpu.enqueue_dma source(%dma_start3A_16 : memref<640x128xf32, #tpu.memory_space<vmem_shared>>) target(%dma_start3A_14 : memref<640x128xf32, #tpu.memory_space<hbm>>) target_semaphore(%run_scoped3A : memref<!tpu.dma_semaphore, #tpu.memory_space<semaphore_mem>>)
      %dma_wait3A = arith.constant 0 : i32
      %dma_wait3A_17 = tpu.memref_slice %arg6[%add3A, %dma_wait3A] : memref<20480x128xf32, #tpu.memory_space<hbm>> -> memref<640x128xf32, #tpu.memory_space<hbm>>
      %dma_wait3A_18 = arith.constant 0 : i32
      %dma_wait3A_19 = tpu.memref_slice %arg11[%mul3A_9, %dma_wait3A_18] : memref<10240x128xf32, #tpu.memory_space<vmem_shared>> -> memref<640x128xf32, #tpu.memory_space<vmem_shared>>
      tpu.wait_dma2 semaphore(%run_scoped3A : memref<!tpu.dma_semaphore, #tpu.memory_space<semaphore_mem>>) src(%dma_wait3A_19 : memref<640x128xf32, #tpu.memory_space<vmem_shared>>) dst(%dma_wait3A_17 : memref<640x128xf32, #tpu.memory_space<hbm>>)
      tpu.yield
    }) : () -> ()
    return
  }
}

module attributes {stable_mosaic.version = 14 : i64} {
  func.func @_tc_first_body(%arg0: i32, %arg1: i32, %arg2: memref<640x256xf32, #tpu.memory_space<vmem>>, %arg3: memref<256x128xf32, #tpu.memory_space<vmem>>, %arg4: memref<640x128xf32, #tpu.memory_space<vmem>>, %arg5: memref<640x128xf32, #tpu.memory_space<vmem>>, %arg6: memref<640x128xf32, #tpu.memory_space<vmem>>) attributes {dimension_semantics = [#tpu.dimension_semantics<arbitrary>, #tpu.dimension_semantics<arbitrary>], iteration_bounds = array<i64: 2, 16>, scalar_prefetch = 0 : i64, scratch_operands = 0 : i64, tpu.core_type = #tpu.core_type<tc>, window_params = [{transform_indices = @transform_0, window_bounds = array<i64: 640, 256>}, {transform_indices = @transform_1, window_bounds = array<i64: 256, 128>}, {transform_indices = @transform_2, window_bounds = array<i64: 640, 128>}, {transform_indices = @transform_3, window_bounds = array<i64: 640, 128>}, {transform_indices = @transform_4, window_bounds = array<i64: 640, 128>}]} {
    %get3A = arith.constant 0 : index
    %get3A_0 = arith.constant 0 : index
    %get3A_1 = vector.load %arg4[%get3A, %get3A_0] : memref<640x128xf32, #tpu.memory_space<vmem>>, vector<640x128xf32>
    %get3A_2 = arith.constant 0 : index
    %get3A_3 = arith.constant 0 : index
    %get3A_4 = vector.load %arg5[%get3A_2, %get3A_3] : memref<640x128xf32, #tpu.memory_space<vmem>>, vector<640x128xf32>
    %slice3A = vector.extract_strided_slice %get3A_1 {offsets = [0, 0], sizes = [640, 1], strides = [1, 1]} : vector<640x128xf32> to vector<640x1xf32>
    %slice3A_5 = vector.extract_strided_slice %get3A_4 {offsets = [0, 0], sizes = [640, 1], strides = [1, 1]} : vector<640x128xf32> to vector<640x1xf32>
    %add3A = arith.addf %slice3A, %slice3A_5 : vector<640x1xf32>
    %add3A_6 = arith.constant 1.000000e+00 : f32
    %add3A_7 = vector.broadcast %add3A_6 : f32 to vector<640x1xf32>
    %add3A_8 = arith.addf %add3A, %add3A_7 : vector<640x1xf32>
    %rsqrt3A = math.rsqrt %add3A_8 : vector<640x1xf32>
    %get3A_9 = arith.constant 0 : index
    %get3A_10 = arith.constant 0 : index
    %get3A_11 = vector.load %arg2[%get3A_9, %get3A_10] : memref<640x256xf32, #tpu.memory_space<vmem>>, vector<640x256xf32>
    %get3A_12 = arith.constant 0 : index
    %get3A_13 = arith.constant 0 : index
    %get3A_14 = vector.load %arg3[%get3A_12, %get3A_13] : memref<256x128xf32, #tpu.memory_space<vmem>>, vector<256x128xf32>
    %dot_general3A = arith.constant dense<0.000000e+00> : vector<640x128xf32>
    %dot_general3A_15 = tpu.matmul %get3A_11, %get3A_14, %dot_general3A {dimension_numbers = #tpu.dot_dimension_numbers<[1], [0], [0], [1], [0, 0, 1, 1], [], []>, transpose_lhs_hint = false} : vector<640x256xf32>, vector<256x128xf32>, vector<640x128xf32> -> vector<640x128xf32>
    %mul3A = vector.broadcast %rsqrt3A : vector<640x1xf32> to vector<640x128xf32>
    %mul3A_16 = arith.mulf %dot_general3A_15, %mul3A : vector<640x128xf32>
    %swap3A = arith.constant 0 : index
    %swap3A_17 = arith.constant 0 : index
    %swap3A_18 = vector.load %arg6[%swap3A, %swap3A_17] : memref<640x128xf32, #tpu.memory_space<vmem>>, vector<640x128xf32>
    tpu.vector_store %arg6[%swap3A, %swap3A_17], %mul3A_16 {strides = array<i32>} : memref<640x128xf32, #tpu.memory_space<vmem>>, vector<640x128xf32>,
    return
  }
  func.func @transform_0(%arg0: i32, %arg1: i32) -> (i32, i32) {
    %c0_i32 = arith.constant 0 : i32
    %c0_i32_0 = arith.constant 0 : i32
    return %arg1, %c0_i32 : i32, i32
  }
  func.func @transform_1(%arg0: i32, %arg1: i32) -> (i32, i32) {
    %c0_i32 = arith.constant 0 : i32
    %c0_i32_0 = arith.constant 0 : i32
    return %c0_i32, %arg0 : i32, i32
  }
  func.func @transform_2(%arg0: i32, %arg1: i32) -> (i32, i32) {
    %c0_i32 = arith.constant 0 : i32
    %c0_i32_0 = arith.constant 0 : i32
    return %arg1, %c0_i32 : i32, i32
  }
  func.func @transform_3(%arg0: i32, %arg1: i32) -> (i32, i32) {
    %add3A = arith.constant 16 : i32
    %add3A_0 = arith.addi %add3A, %arg1 : i32
    %c0_i32 = arith.constant 0 : i32
    %c0_i32_1 = arith.constant 0 : i32
    return %add3A_0, %c0_i32 : i32, i32
  }
  func.func @transform_4(%arg0: i32, %arg1: i32) -> (i32, i32) {
    %mul3A = arith.constant 16 : i32
    %mul3A_0 = arith.muli %arg0, %mul3A : i32
    %add3A = arith.addi %mul3A_0, %arg1 : i32
    %c0_i32 = arith.constant 0 : i32
    %c0_i32_1 = arith.constant 0 : i32
    return %add3A, %c0_i32 : i32, i32
  }
}

module attributes {stable_mosaic.version = 14 : i64} {
  func.func @_tc_layer_body(%arg0: i32, %arg1: i32, %arg2: memref<640x128xf32, #tpu.memory_space<vmem>>, %arg3: memref<640x128xf32, #tpu.memory_space<vmem>>, %arg4: memref<640x128xf32, #tpu.memory_space<vmem>>, %arg5: memref<640x128xf32, #tpu.memory_space<vmem>>, %arg6: memref<640x128xf32, #tpu.memory_space<vmem>>, %arg7: memref<640x128xf32, #tpu.memory_space<vmem>>, %arg8: memref<1x256xf32, #tpu.memory_space<vmem>>, %arg9: memref<256x128xf32, #tpu.memory_space<vmem>>, %arg10: memref<640x128xf32, #tpu.memory_space<vmem>>) attributes {dimension_semantics = [#tpu.dimension_semantics<arbitrary>, #tpu.dimension_semantics<arbitrary>], iteration_bounds = array<i64: 2, 16>, scalar_prefetch = 0 : i64, scratch_operands = 0 : i64, tpu.core_type = #tpu.core_type<tc>, window_params = [{transform_indices = @transform_0, window_bounds = array<i64: 640, 128>}, {transform_indices = @transform_1, window_bounds = array<i64: 640, 128>}, {transform_indices = @transform_2, window_bounds = array<i64: 640, 128>}, {transform_indices = @transform_3, window_bounds = array<i64: 640, 128>}, {transform_indices = @transform_4, window_bounds = array<i64: 640, 128>}, {transform_indices = @transform_5, window_bounds = array<i64: 640, 128>}, {pipeline_mode = #tpu.pipeline_mode<synchronous>, transform_indices = @transform_6, window_bounds = array<i64: 1, 256>}, {transform_indices = @transform_7, window_bounds = array<i64: 256, 128>}, {transform_indices = @transform_8, window_bounds = array<i64: 640, 128>}]} {
    %get3A = arith.constant 0 : index
    %get3A_0 = arith.constant 0 : index
    %get3A_1 = vector.load %arg6[%get3A, %get3A_0] : memref<640x128xf32, #tpu.memory_space<vmem>>, vector<640x128xf32>
    %get3A_2 = arith.constant 0 : index
    %get3A_3 = arith.constant 0 : index
    %get3A_4 = vector.load %arg7[%get3A_2, %get3A_3] : memref<640x128xf32, #tpu.memory_space<vmem>>, vector<640x128xf32>
    %slice3A = vector.extract_strided_slice %get3A_1 {offsets = [0, 0], sizes = [640, 1], strides = [1, 1]} : vector<640x128xf32> to vector<640x1xf32>
    %slice3A_5 = vector.extract_strided_slice %get3A_4 {offsets = [0, 0], sizes = [640, 1], strides = [1, 1]} : vector<640x128xf32> to vector<640x1xf32>
    %add3A = arith.addf %slice3A, %slice3A_5 : vector<640x1xf32>
    %add3A_6 = arith.constant 1.000000e+00 : f32
    %add3A_7 = vector.broadcast %add3A_6 : f32 to vector<640x1xf32>
    %add3A_8 = arith.addf %add3A, %add3A_7 : vector<640x1xf32>
    %rsqrt3A = math.rsqrt %add3A_8 : vector<640x1xf32>
    %get3A_9 = arith.constant 0 : index
    %get3A_10 = arith.constant 0 : index
    %get3A_11 = vector.load %arg2[%get3A_9, %get3A_10] : memref<640x128xf32, #tpu.memory_space<vmem>>, vector<640x128xf32>
    %get3A_12 = arith.constant 0 : index
    %get3A_13 = arith.constant 0 : index
    %get3A_14 = vector.load %arg4[%get3A_12, %get3A_13] : memref<640x128xf32, #tpu.memory_space<vmem>>, vector<640x128xf32>
    %add3A_15 = arith.addf %get3A_11, %get3A_14 : vector<640x128xf32>
    %get3A_16 = arith.constant 0 : index
    %get3A_17 = arith.constant 0 : index
    %get3A_18 = vector.load %arg3[%get3A_16, %get3A_17] : memref<640x128xf32, #tpu.memory_space<vmem>>, vector<640x128xf32>
    %get3A_19 = arith.constant 0 : index
    %get3A_20 = arith.constant 0 : index
    %get3A_21 = vector.load %arg5[%get3A_19, %get3A_20] : memref<640x128xf32, #tpu.memory_space<vmem>>, vector<640x128xf32>
    %add3A_22 = arith.addf %get3A_18, %get3A_21 : vector<640x128xf32>
    %concatenate3A = tpu.concatenate %add3A_15, %add3A_22 in 1 : vector<640x128xf32>, vector<640x128xf32> -> vector<640x256xf32>
    %mul3A = vector.broadcast %rsqrt3A : vector<640x1xf32> to vector<640x256xf32>
    %mul3A_23 = arith.mulf %mul3A, %concatenate3A : vector<640x256xf32>
    %get3A_24 = arith.constant 0 : index
    %get3A_25 = arith.constant 0 : index
    %get3A_26 = vector.load %arg8[%get3A_24, %get3A_25] : memref<1x256xf32, #tpu.memory_space<vmem>>, vector<1x256xf32>
    %add3A_27 = vector.broadcast %get3A_26 : vector<1x256xf32> to vector<640x256xf32>
    %add3A_28 = arith.addf %mul3A_23, %add3A_27 : vector<640x256xf32>
    %max3A = arith.constant 0.000000e+00 : f32
    %max3A_29 = vector.broadcast %max3A : f32 to vector<640x256xf32>
    %max3A_30 = arith.maximumf %add3A_28, %max3A_29 : vector<640x256xf32>
    %get3A_31 = arith.constant 0 : index
    %get3A_32 = arith.constant 0 : index
    %get3A_33 = vector.load %arg9[%get3A_31, %get3A_32] : memref<256x128xf32, #tpu.memory_space<vmem>>, vector<256x128xf32>
    %dot_general3A = arith.constant dense<0.000000e+00> : vector<640x128xf32>
    %dot_general3A_34 = tpu.matmul %max3A_30, %get3A_33, %dot_general3A {dimension_numbers = #tpu.dot_dimension_numbers<[1], [0], [0], [1], [0, 0, 1, 1], [], []>, transpose_lhs_hint = false} : vector<640x256xf32>, vector<256x128xf32>, vector<640x128xf32> -> vector<640x128xf32>
    %mul3A_35 = vector.broadcast %rsqrt3A : vector<640x1xf32> to vector<640x128xf32>
    %mul3A_36 = arith.mulf %dot_general3A_34, %mul3A_35 : vector<640x128xf32>
    %swap3A = arith.constant 0 : index
    %swap3A_37 = arith.constant 0 : index
    %swap3A_38 = vector.load %arg10[%swap3A, %swap3A_37] : memref<640x128xf32, #tpu.memory_space<vmem>>, vector<640x128xf32>
    tpu.vector_store %arg10[%swap3A, %swap3A_37], %mul3A_36 {strides = array<i32>} : memref<640x128xf32, #tpu.memory_space<vmem>>, vector<640x128xf32>,
    return
  }
  func.func @transform_0(%arg0: i32, %arg1: i32) -> (i32, i32) {
    %c0_i32 = arith.constant 0 : i32
    %c0_i32_0 = arith.constant 0 : i32
    return %arg1, %c0_i32 : i32, i32
  }
  func.func @transform_1(%arg0: i32, %arg1: i32) -> (i32, i32) {
    %add3A = arith.constant 16 : i32
    %add3A_0 = arith.addi %add3A, %arg1 : i32
    %c0_i32 = arith.constant 0 : i32
    %c0_i32_1 = arith.constant 0 : i32
    return %add3A_0, %c0_i32 : i32, i32
  }
  func.func @transform_2(%arg0: i32, %arg1: i32) -> (i32, i32) {
    %c0_i32 = arith.constant 0 : i32
    %c0_i32_0 = arith.constant 0 : i32
    return %arg1, %c0_i32 : i32, i32
  }
  func.func @transform_3(%arg0: i32, %arg1: i32) -> (i32, i32) {
    %add3A = arith.constant 16 : i32
    %add3A_0 = arith.addi %add3A, %arg1 : i32
    %c0_i32 = arith.constant 0 : i32
    %c0_i32_1 = arith.constant 0 : i32
    return %add3A_0, %c0_i32 : i32, i32
  }
  func.func @transform_4(%arg0: i32, %arg1: i32) -> (i32, i32) {
    %c0_i32 = arith.constant 0 : i32
    %c0_i32_0 = arith.constant 0 : i32
    return %arg1, %c0_i32 : i32, i32
  }
  func.func @transform_5(%arg0: i32, %arg1: i32) -> (i32, i32) {
    %add3A = arith.constant 16 : i32
    %add3A_0 = arith.addi %add3A, %arg1 : i32
    %c0_i32 = arith.constant 0 : i32
    %c0_i32_1 = arith.constant 0 : i32
    return %add3A_0, %c0_i32 : i32, i32
  }
  func.func @transform_6(%arg0: i32, %arg1: i32) -> (i32, i32) {
    %c0_i32 = arith.constant 0 : i32
    %c0_i32_0 = arith.constant 0 : i32
    %c0_i32_1 = arith.constant 0 : i32
    return %c0_i32, %c0_i32_0 : i32, i32
  }
  func.func @transform_7(%arg0: i32, %arg1: i32) -> (i32, i32) {
    %c0_i32 = arith.constant 0 : i32
    %c0_i32_0 = arith.constant 0 : i32
    return %c0_i32, %arg0 : i32, i32
  }
  func.func @transform_8(%arg0: i32, %arg1: i32) -> (i32, i32) {
    %mul3A = arith.constant 16 : i32
    %mul3A_0 = arith.muli %arg0, %mul3A : i32
    %add3A = arith.addi %mul3A_0, %arg1 : i32
    %c0_i32 = arith.constant 0 : i32
    %c0_i32_1 = arith.constant 0 : i32
    return %add3A, %c0_i32 : i32, i32
  }
}

module attributes {stable_mosaic.version = 14 : i64} {
  func.func @_tc_cls_body(%arg0: i32, %arg1: memref<640x128xf32, #tpu.memory_space<vmem>>, %arg2: memref<640x128xf32, #tpu.memory_space<vmem>>, %arg3: memref<640x128xf32, #tpu.memory_space<vmem>>, %arg4: memref<640x128xf32, #tpu.memory_space<vmem>>, %arg5: memref<640x128xf32, #tpu.memory_space<vmem>>, %arg6: memref<640x128xf32, #tpu.memory_space<vmem>>, %arg7: memref<1x256xf32, #tpu.memory_space<vmem>>, %arg8: memref<256x128xf32, #tpu.memory_space<vmem>>, %arg9: memref<1x128xf32, #tpu.memory_space<vmem>>, %arg10: memref<640x128xf32, #tpu.memory_space<vmem>>) attributes {dimension_semantics = [#tpu.dimension_semantics<arbitrary>], iteration_bounds = array<i64: 16>, scalar_prefetch = 0 : i64, scratch_operands = 0 : i64, tpu.core_type = #tpu.core_type<tc>, window_params = [{transform_indices = @transform_0, window_bounds = array<i64: 640, 128>}, {transform_indices = @transform_1, window_bounds = array<i64: 640, 128>}, {transform_indices = @transform_2, window_bounds = array<i64: 640, 128>}, {transform_indices = @transform_3, window_bounds = array<i64: 640, 128>}, {transform_indices = @transform_4, window_bounds = array<i64: 640, 128>}, {transform_indices = @transform_5, window_bounds = array<i64: 640, 128>}, {pipeline_mode = #tpu.pipeline_mode<synchronous>, transform_indices = @transform_6, window_bounds = array<i64: 1, 256>}, {pipeline_mode = #tpu.pipeline_mode<synchronous>, transform_indices = @transform_7, window_bounds = array<i64: 256, 128>}, {pipeline_mode = #tpu.pipeline_mode<synchronous>, transform_indices = @transform_8, window_bounds = array<i64: 1, 128>}, {transform_indices = @transform_9, window_bounds = array<i64: 640, 128>}]} {
    %get3A = arith.constant 0 : index
    %get3A_0 = arith.constant 0 : index
    %get3A_1 = vector.load %arg5[%get3A, %get3A_0] : memref<640x128xf32, #tpu.memory_space<vmem>>, vector<640x128xf32>
    %get3A_2 = arith.constant 0 : index
    %get3A_3 = arith.constant 0 : index
    %get3A_4 = vector.load %arg6[%get3A_2, %get3A_3] : memref<640x128xf32, #tpu.memory_space<vmem>>, vector<640x128xf32>
    %slice3A = vector.extract_strided_slice %get3A_1 {offsets = [0, 0], sizes = [640, 1], strides = [1, 1]} : vector<640x128xf32> to vector<640x1xf32>
    %slice3A_5 = vector.extract_strided_slice %get3A_4 {offsets = [0, 0], sizes = [640, 1], strides = [1, 1]} : vector<640x128xf32> to vector<640x1xf32>
    %add3A = arith.addf %slice3A, %slice3A_5 : vector<640x1xf32>
    %add3A_6 = arith.constant 1.000000e+00 : f32
    %add3A_7 = vector.broadcast %add3A_6 : f32 to vector<640x1xf32>
    %add3A_8 = arith.addf %add3A, %add3A_7 : vector<640x1xf32>
    %rsqrt3A = math.rsqrt %add3A_8 : vector<640x1xf32>
    %get3A_9 = arith.constant 0 : index
    %get3A_10 = arith.constant 0 : index
    %get3A_11 = vector.load %arg1[%get3A_9, %get3A_10] : memref<640x128xf32, #tpu.memory_space<vmem>>, vector<640x128xf32>
    %get3A_12 = arith.constant 0 : index
    %get3A_13 = arith.constant 0 : index
    %get3A_14 = vector.load %arg3[%get3A_12, %get3A_13] : memref<640x128xf32, #tpu.memory_space<vmem>>, vector<640x128xf32>
    %add3A_15 = arith.addf %get3A_11, %get3A_14 : vector<640x128xf32>
    %get3A_16 = arith.constant 0 : index
    %get3A_17 = arith.constant 0 : index
    %get3A_18 = vector.load %arg2[%get3A_16, %get3A_17] : memref<640x128xf32, #tpu.memory_space<vmem>>, vector<640x128xf32>
    %get3A_19 = arith.constant 0 : index
    %get3A_20 = arith.constant 0 : index
    %get3A_21 = vector.load %arg4[%get3A_19, %get3A_20] : memref<640x128xf32, #tpu.memory_space<vmem>>, vector<640x128xf32>
    %add3A_22 = arith.addf %get3A_18, %get3A_21 : vector<640x128xf32>
    %concatenate3A = tpu.concatenate %add3A_15, %add3A_22 in 1 : vector<640x128xf32>, vector<640x128xf32> -> vector<640x256xf32>
    %mul3A = vector.broadcast %rsqrt3A : vector<640x1xf32> to vector<640x256xf32>
    %mul3A_23 = arith.mulf %mul3A, %concatenate3A : vector<640x256xf32>
    %get3A_24 = arith.constant 0 : index
    %get3A_25 = arith.constant 0 : index
    %get3A_26 = vector.load %arg7[%get3A_24, %get3A_25] : memref<1x256xf32, #tpu.memory_space<vmem>>, vector<1x256xf32>
    %add3A_27 = vector.broadcast %get3A_26 : vector<1x256xf32> to vector<640x256xf32>
    %add3A_28 = arith.addf %mul3A_23, %add3A_27 : vector<640x256xf32>
    %max3A = arith.constant 0.000000e+00 : f32
    %max3A_29 = vector.broadcast %max3A : f32 to vector<640x256xf32>
    %max3A_30 = arith.maximumf %add3A_28, %max3A_29 : vector<640x256xf32>
    %get3A_31 = arith.constant 0 : index
    %get3A_32 = arith.constant 0 : index
    %get3A_33 = vector.load %arg8[%get3A_31, %get3A_32] : memref<256x128xf32, #tpu.memory_space<vmem>>, vector<256x128xf32>
    %dot_general3A = arith.constant dense<0.000000e+00> : vector<640x128xf32>
    %dot_general3A_34 = tpu.matmul %max3A_30, %get3A_33, %dot_general3A {dimension_numbers = #tpu.dot_dimension_numbers<[1], [0], [0], [1], [0, 0, 1, 1], [], []>, transpose_lhs_hint = false} : vector<640x256xf32>, vector<256x128xf32>, vector<640x128xf32> -> vector<640x128xf32>
    %get3A_35 = arith.constant 0 : index
    %get3A_36 = arith.constant 0 : index
    %get3A_37 = vector.load %arg9[%get3A_35, %get3A_36] : memref<1x128xf32, #tpu.memory_space<vmem>>, vector<1x128xf32>
    %add3A_38 = vector.broadcast %get3A_37 : vector<1x128xf32> to vector<640x128xf32>
    %add3A_39 = arith.addf %dot_general3A_34, %add3A_38 : vector<640x128xf32>
    %reduce_max3A = arith.constant dense<0xFF800000> : vector<640xf32>
    %reduce_max3A_40 = vector.multi_reduction <maximumf>, %add3A_39, %reduce_max3A [1] : vector<640x128xf32> to vector<640xf32>
    %broadcast_in_dim3A = vector.shape_cast %reduce_max3A_40 : vector<640xf32> to vector<640x1xf32>
    %sub3A = vector.broadcast %broadcast_in_dim3A : vector<640x1xf32> to vector<640x128xf32>
    %sub3A_41 = arith.subf %add3A_39, %sub3A : vector<640x128xf32>
    %exp3A = math.exp %sub3A_41 : vector<640x128xf32>
    %reduce_sum3A = arith.constant dense<0.000000e+00> : vector<640xf32>
    %reduce_sum3A_42 = vector.multi_reduction <add>, %exp3A, %reduce_sum3A [1] : vector<640x128xf32> to vector<640xf32>
    %broadcast_in_dim3A_43 = vector.shape_cast %reduce_sum3A_42 : vector<640xf32> to vector<640x1xf32>
    %log3A = math.log %broadcast_in_dim3A_43 : vector<640x1xf32>
    %add3A_44 = arith.addf %broadcast_in_dim3A, %log3A : vector<640x1xf32>
    %sub3A_45 = vector.broadcast %add3A_44 : vector<640x1xf32> to vector<640x128xf32>
    %sub3A_46 = arith.subf %add3A_39, %sub3A_45 : vector<640x128xf32>
    %swap3A = arith.constant 0 : index
    %swap3A_47 = arith.constant 0 : index
    %swap3A_48 = vector.load %arg10[%swap3A, %swap3A_47] : memref<640x128xf32, #tpu.memory_space<vmem>>, vector<640x128xf32>
    tpu.vector_store %arg10[%swap3A, %swap3A_47], %sub3A_46 {strides = array<i32>} : memref<640x128xf32, #tpu.memory_space<vmem>>, vector<640x128xf32>,
    return
  }
  func.func @transform_0(%arg0: i32) -> (i32, i32) {
    %c0_i32 = arith.constant 0 : i32
    %c0_i32_0 = arith.constant 0 : i32
    return %arg0, %c0_i32 : i32, i32
  }
  func.func @transform_1(%arg0: i32) -> (i32, i32) {
    %add3A = arith.constant 16 : i32
    %add3A_0 = arith.addi %add3A, %arg0 : i32
    %c0_i32 = arith.constant 0 : i32
    %c0_i32_1 = arith.constant 0 : i32
    return %add3A_0, %c0_i32 : i32, i32
  }
  func.func @transform_2(%arg0: i32) -> (i32, i32) {
    %c0_i32 = arith.constant 0 : i32
    %c0_i32_0 = arith.constant 0 : i32
    return %arg0, %c0_i32 : i32, i32
  }
  func.func @transform_3(%arg0: i32) -> (i32, i32) {
    %add3A = arith.constant 16 : i32
    %add3A_0 = arith.addi %add3A, %arg0 : i32
    %c0_i32 = arith.constant 0 : i32
    %c0_i32_1 = arith.constant 0 : i32
    return %add3A_0, %c0_i32 : i32, i32
  }
  func.func @transform_4(%arg0: i32) -> (i32, i32) {
    %c0_i32 = arith.constant 0 : i32
    %c0_i32_0 = arith.constant 0 : i32
    return %arg0, %c0_i32 : i32, i32
  }
  func.func @transform_5(%arg0: i32) -> (i32, i32) {
    %add3A = arith.constant 16 : i32
    %add3A_0 = arith.addi %add3A, %arg0 : i32
    %c0_i32 = arith.constant 0 : i32
    %c0_i32_1 = arith.constant 0 : i32
    return %add3A_0, %c0_i32 : i32, i32
  }
  func.func @transform_6(%arg0: i32) -> (i32, i32) {
    %c0_i32 = arith.constant 0 : i32
    %c0_i32_0 = arith.constant 0 : i32
    %c0_i32_1 = arith.constant 0 : i32
    return %c0_i32, %c0_i32_0 : i32, i32
  }
  func.func @transform_7(%arg0: i32) -> (i32, i32) {
    %c0_i32 = arith.constant 0 : i32
    %c0_i32_0 = arith.constant 0 : i32
    %c0_i32_1 = arith.constant 0 : i32
    return %c0_i32, %c0_i32_0 : i32, i32
  }
  func.func @transform_8(%arg0: i32) -> (i32, i32) {
    %c0_i32 = arith.constant 0 : i32
    %c0_i32_0 = arith.constant 0 : i32
    %c0_i32_1 = arith.constant 0 : i32
    return %c0_i32, %c0_i32_0 : i32, i32
  }
  func.func @transform_9(%arg0: i32) -> (i32, i32) {
    %c0_i32 = arith.constant 0 : i32
    %c0_i32_0 = arith.constant 0 : i32
    return %arg0, %c0_i32 : i32, i32
  }
}

</mosaic_0001>

<sc_bundles>
// kernel: kernel.10.cloned.1.call-start
scs
__scs_entry_jumppad:
0x0: {  	(pc) =	sbr.rel $0x88, $3  }
0x1: {  	(tag) =	ssettag $0x0;
	lr =	simm.s32 $0x1  }
0x2: {  	[smem:$0x3F97] =	sst lr;
	_ =	strace $0xD0000000  }
0x3: {  	_ = 	snop  }
0x4: {  	_ = 	snop  }
0x5: {  	_ = 	snop  }
0x6: {  	_ = 	snop  }
0x7: {  	_ = 	snop  }
__scs_overlays_trampoline_lowered:
0x8: {  	[smem:$0x3FA6] =	sst s0  }
0x9: {  	[smem:$0x3FA7] =	sst s1  }
0xa: {  	[smem:$0x3FA8] =	sst s2  }
0xb: {  	[smem:$0x3FA9] =	sst s3  }
0xc: {  	[smem:$0x3FAA] =	sst s4  }
0xd: {  	[smem:$0x3FAB] =	sst s5  }
0xe: {  	[smem:$0x3FAC] =	sst s6  }
0xf: {  	[smem:$0x3FAD] =	sst s7  }
0x10: {  	[smem:$0x3FAE] =	sst s8  }
0x11: {  	[smem:$0x3FAF] =	sst s9;
	s0 =	simm.s32 @!p0 $0x0  }
0x12: {  	s1 =	sld [smem:$0x3F95];
	s0 =	simm.s32 @p0 $0x1  }
0x13: {  	[smem:$0x3FB0] =	sst s0;
	s0 =	simm.s32 @!p1 $0x0  }
0x14: {  	s2 =	sld [smem:$0x3F94];
	s0 =	simm.s32 @p1 $0x1  }
0x15: {  	[smem:$0x3FB1] =	sst s0;
	s0 =	simm.s32 @!p2 $0x0  }
0x16: {  	s3 =	sld [smem:$0x3FDB];
	s0 =	simm.s32 @p2 $0x1  }
0x17: {  	s4 =	simm.s32 $0x1BF5;
	[smem:$0x3FB3] =	sst s0  }
0x18: {  	s0 =	sld [smem:$0x3F96];
	_ =	swait.ge [sflag:s4], $0x0  }
0x19: {  	s7 =	sld [smem:$0x3F97]  }
0x1a: {  	s8 =	sadd.s32 $0xFFFFE003, lr  }
0x1b: {  	s9 =	sadd.s32 $0xFFFFFEF7, lr;
	s5 =	simm.s32 $0xFFFFFFFF;
	p2 =	slt.u32 s8, $0xFFFFF086  }
0x1c: {  	p1 =	slt.u32 s9, $0xF7A;
	s5 =	simm.s32 @!p2 $0x0  }
0x1d: {  	s5 =	simm.s32 @p1 $0x1;
	p0 =	seq.s32 s7, s2  }
0x1e: {  	s7 =	smul.u32 @!p0 $0xF7A, s2;
	p2 =	seq.s32 @!p0 s5, $0x0  }
0x1f: {  	s9 =	smul.u32 $0xF7A, s1;
	s8 =	simm.s32 @!p0 $0x1BF5;
	p2 =	por !p2, p0  }
0x20: {  	[sflag:s8] =	ssyncset.s32 @!p0 $0xFFFFF086;
	s6 =	sadd.s32 @!p0 s3, s7;
	s7 =	simm.s32 @!p0 $0x108  }
0x21: {  	s3 =	sadd.s32 s3, s9;
	s6 =	sadd.s32 @!p0 $0x88, s6;
	s7 =	simm.s32 @p2 $0x1082  }
0x22: {  	[simem:s7], [sflag:s8] =	dma.local @!p0 [hbm:s6], $0xF7A  }
0x23: {  	s9 =	sor.u32 $0xD0000000, s2;
	s6 =	simm.s32 $0x108;
	_ =	swait.ge @!p0 [sflag:s8], $0x0  }
0x24: {  	s3 =	sadd.s32 $0x88, s3;
	s6 =	simm.s32 @!p1 $0x1082;
	[sflag:s4] =	ssyncset.s32 $0xFFFFF086  }
0x25: {  	[simem:s6], [sflag:s4] =	dma.local [hbm:s3], $0xF7A  }
0x26: {  	[smem:$0x3F97] =	sst s1;
	(tag) =	ssettag s2;
	_ =	strace s9  }
0x27: {  	s1 =	sld [smem:$0x3FA7]  }
0x28: {  	s2 =	sld [smem:$0x3FA8]  }
0x29: {  	s4 =	sld [smem:$0x3FAA]  }
0x2a: {  	p0 =	seq.s32 s5, $0x0;
	s5 =	sld [smem:$0x3FAB]  }
0x2b: {  	s6 =	sld [smem:$0x3FAC]  }
0x2c: {  	s7 =	sld [smem:$0x3FAD]  }
0x2d: {  	s3 =	simm.s32 $0x108;
	s8 =	sld [smem:$0x3FAE]  }
0x2e: {  	s3 =	simm.s32 @!p0 $0x1082;
	s9 =	sld [smem:$0x3FAF]  }
0x2f: {  	lr =	sadd.s32 s0, s3;
	s0 =	sld [smem:$0x3FA6]  }
0x30: {  	s3 =	sld [smem:$0x3FA9]  }
0x31: {  	[smem:$0x3FB2] =	sst s10  }
0x32: {  	s10 =	sld [smem:$0x3FB0];
	_ =	sdelay $0x3  }
0x33: {  	p0 =	seq.s32 s10, $0x1;
	s10 =	sld [smem:$0x3FB2];
	_ =	sdelay $0x3  }
0x34: {  	[smem:$0x3FB2] =	sst s10  }
0x35: {  	s10 =	sld [smem:$0x3FB1];
	_ =	sdelay $0x3  }
0x36: {  	p1 =	seq.s32 s10, $0x1;
	s10 =	sld [smem:$0x3FB2];
	_ =	sdelay $0x3  }
0x37: {  	[smem:$0x3FB2] =	sst s10  }
0x38: {  	s10 =	sld [smem:$0x3FB3]  }
0x39: {  	_ = 	snop;
	(pc) =	sbr.ind lr, $3  }
0x3a: {  	_ = 	snop  }
0x3b: {  	_ = 	snop  }
0x3c: {  	p2 =	seq.s32 s10, $0x1;
	s10 =	sld [smem:$0x3FB2]  }
0x3d: {  	_ =	shalt  }
0x3e: {  	_ =	shalt  }
0x3f: {  	_ =	shalt  }
0x40: {  	_ =	shalt  }
0x41: {  	_ =	shalt  }
0x42: {  	_ =	shalt  }
0x43: {  	_ =	shalt  }
0x44: {  	_ =	shalt  }
0x45: {  	_ =	shalt  }
0x46: {  	_ =	shalt  }
0x47: {  	_ =	shalt  }
0x48: {  	_ =	shalt  }
0x49: {  	_ =	shalt  }
0x4a: {  	_ =	shalt  }
0x4b: {  	_ =	shalt  }
0x4c: {  	_ =	shalt  }
0x4d: {  	_ =	shalt  }
0x4e: {  	_ =	shalt  }
0x4f: {  	_ =	shalt  }
0x50: {  	_ =	shalt  }
0x51: {  	_ =	shalt  }
0x52: {  	_ =	shalt  }
0x53: {  	_ =	shalt  }
0x54: {  	_ =	shalt  }
0x55: {  	_ =	shalt  }
0x56: {  	_ =	shalt  }
0x57: {  	_ =	shalt  }
0x58: {  	_ =	shalt  }
0x59: {  	_ =	shalt  }
0x5a: {  	_ =	shalt  }
0x5b: {  	_ =	shalt  }
0x5c: {  	_ =	shalt  }
0x5d: {  	_ =	shalt  }
0x5e: {  	_ =	shalt  }
0x5f: {  	_ =	shalt  }
0x60: {  	_ =	shalt  }
0x61: {  	_ =	shalt  }
0x62: {  	_ =	shalt  }
0x63: {  	_ =	shalt  }
0x64: {  	_ =	shalt  }
0x65: {  	_ =	shalt  }
0x66: {  	_ =	shalt  }
0x67: {  	_ =	shalt  }
0x68: {  	_ =	shalt  }
0x69: {  	_ =	shalt  }
0x6a: {  	_ =	shalt  }
0x6b: {  	_ =	shalt  }
0x6c: {  	_ =	shalt  }
0x6d: {  	_ =	shalt  }
0x6e: {  	_ =	shalt  }
0x6f: {  	_ =	shalt  }
0x70: {  	_ =	shalt  }
0x71: {  	_ =	shalt  }
0x72: {  	_ =	shalt  }
0x73: {  	_ =	shalt  }
0x74: {  	_ =	shalt  }
0x75: {  	_ =	shalt  }
0x76: {  	_ =	shalt  }
0x77: {  	_ =	shalt  }
0x78: {  	_ =	shalt  }
0x79: {  	_ =	shalt  }
0x7a: {  	_ =	shalt  }
0x7b: {  	_ =	shalt  }
0x7c: {  	_ =	shalt  }
0x7d: {  	_ =	shalt  }
0x7e: {  	_ =	shalt  }
0x7f: {  	_ =	shalt  }
0x80: {  	_ =	shalt  }
0x81: {  	_ =	shalt  }
0x82: {  	_ =	shalt  }
0x83: {  	_ =	shalt  }
0x84: {  	_ =	shalt  }
0x85: {  	_ =	shalt  }
0x86: {  	_ =	shalt  }
0x87: {  	_ =	shalt  }
.Lfunc_end0:
.L_simem_size_0:
called_computation_lowered:
.L_overlay_start_0:
0x88: {  	s2 =	sld [smem:$0x3FD9]  }
0x89: {  	s3 =	sld [smem:$0x3FFE];
	_ =	sdelay $0x1  }
0x8a: {  	s1 =	srdreg.scid  }
0x8b: {  	s0 =	sand.u32 $0x1, s1  }
0x8c: {  	s17 =	sshll.u32 s0, $0xA;
	s2 =	sadd.s32 s3, s2  }
0x8d: {  	s2 =	sadd.s32 s2, s17  }
0x8e: {  	[smem:$0x3FBE] =	sst s2  }
0x8f: {  	_ = 	snop  }
0x90: {  	s2 =	sld [smem:$0x3FD0];
	(tm) =	ssettm $0x1  }
0x91: {  	s18 =	sld [smem:$0x3FFB];
	_ =	sdelay $0x3  }
0x92: {  	_ =	strace s18  }
0x93: {  	s3 =	sld [smem:$0x3FFC];
	_ =	sdelay $0x3  }
0x94: {  	_ =	strace s3  }
0x95: {  	s3 =	sld [smem:$0x3FFD];
	_ =	sdelay $0x3  }
0x96: {  	_ =	strace s3  }
0x97: {  	_ =	strace $0x8FFFFFFF  }
0x98: {  	s19 =	sld [smem:$0x3FDB];
	_ =	sdelay $0x1  }
0x99: {  	s4 =	simm.s32 $_scs_section_size  }
0x9a: {  	s5 =	simm.s32 $_size__tile_overlayer_lowered;
	s6 =	simm.s32 $_tile_overlayer_lowered  }
0x9b: {  	s22 =	simm.s32 $0x1BFF;
	s21 =	sshll.u32 s6, $0x1;
	s3 =	sadd.s32 s4, s19  }
0x9c: {  	s7 =	simm.s32 $0x0;
	s20 =	sshll.u32 s5, $0x1;
	s5 =	sadd.s32 s21, s3  }
0x9d: {  	[timem:s7], [sflag:s22] =	dma.local [hbm:s5], s20  }
0x9e: {  	_ =	swait.ge [sflag:s22], s20  }
0x9f: {  	s4 =	ssub.s32 $0x0, s20;
	[sflag:s22] =	ssyncset.done $0x0  }
0xa0: {  	[sflag:s22] =	ssyncadd.s32 s4;
	_ =	sdelay $0x1  }
0xa1: {  	s23 =	simm.s32 $0x1B8B  }
0xa2: {  	_ =	swait.ge [sflag:s23], $0x1  }
0xa3: {  	[sflag:s23] =	ssyncset.done $0x0  }
0xa4: {  	s25 =	simm.s32 $0x1B8E;
	s24 =	sld [smem:$0x3FFE];
	[sflag:s23] =	ssyncadd.s32 $0xFFFFFFFF  }
0xa5: {  	s26 =	simm.s32 $execute0_lowered;
	[smem:$0x3FD2] =	sst s25  }
0xa6: {  	s5 =	sshll.u32 s26, $0x1;
	_ =	strace $0x80000046;
	[dreg:$0x1] =	wrdreg $0xFFFFFFFF  }
0xa7: {  	s28 =	simm.s32 $_size_execute0_lowered;
	s3 =	sadd.s32 s3, s5;
	[dreg:$0x0] =	wrdreg $0x0  }
0xa8: {  	s5 =	sshll.u32 s28, $0x1;
	[dreg:$0x2] =	wrdreg s3  }
0xa9: {  	[dreg:$0x3] =	wrdreg s5  }
0xaa: {  	[dreg:$0x4] =	wrdreg $0xC0  }
0xab: {  	_ =	task [dreg:s7], $0x5FFFF  }
0xac: {  	[dreg:$0x1] =	wrdreg $0xFFFFFFFF  }
0xad: {  	[dreg:$0x0] =	wrdreg $0x60  }
0xae: {  	[dreg:$0x2] =	wrdreg s24  }
0xaf: {  	[dreg:$0x3] =	wrdreg s2  }
0xb0: {  	[dreg:$0x4] =	wrdreg $0x48800  }
0xb1: {  	[dreg:$0x5] =	wrdreg $0x9  }
0xb2: {  	_ =	task.clear_ibuf [dreg:s7], $0x6FFFF;
	_ =	strace $0x90000046  }
0xb3: {  	s29 =	simm.s32 $0x9;
	_ =	strace $0x80000048  }
0xb4: {  	_ =	swait.ge [sflag:s29], $0x1  }
0xb5: {  	[sflag:s29] =	ssyncadd.s32 $0xFFFFFFFF  }
0xb6: {  	_ =	strace $0x90000048  }
0xb7: {  	_ =	sfence  }
0xb8: {  	s30 =	sld [smem:$0x0];
	_ =	sdelay $0x2  }
0xb9: {  	s31 =	sshll.u32 s1, $0xD;
	s1 =	sshrl.u32 s1, $0x2  }
0xba: {  	s3 =	sand.u32 $0x4000, s31;
	s1 =	sadd.s32 s1, s30  }
0xbb: {  	s0 =	sor.u32 s3, s0;
	s1 =	sshll.u32 s1, $0x11  }
0xbc: {  	s0 =	sor.u32 s1, s0  }
0xbd: {  	s0 =	sadd.s32 $0x8F2B, s0  }
0xbe: {  	[sflag:s0] =	ssyncadd.remote.s32 $0x1  }
0xbf: {  	_ =	sfence.sel $0xFFFF  }
0xc0: {  	[dreg:$0x0] =	wrdreg $0xFFFFFFFF;
	(pc) =	sbr.abs _section_cstart, $3  }
0xc1: {  	[dreg:$0x1] =	wrdreg $0xFFFFFFFF  }
0xc2: {  	_ =	task.clear_ibuf [dreg:s7], $0x2FFFF;
	_ =	strace $0x9FFFFFFF  }
0xc3: {  	(tm) =	ssettm $0x7FFFFFFF  }
tec
execute0_lowered:
.L_overlay_start_1:
0x0: {  	(tag) =	ssettag $0x1  }
0x1: {  	s6 =	rddreg [dreg:$0x0]  }
0x2: {  	s2 =	rddreg [dreg:$0x1]  }
0x3: {  	s3 =	rddreg [dreg:$0x2]  }
0x4: {  	s0 =	rddreg [dreg:$0x3]  }
0x5: {  	s1 =	stileid.u32;
	s5 =	srdreg.scid  }
0x6: {  	s4 =	simm.s32 $0x0;
	s13 =	simm.s32 $0x50;
	s14 =	simm.s32 $0x2000  }
0x7: {  	s15 =	simm.s32 $0x0;
	s7 =	sand.u32 $0x1, s5;
	s29 =	smul.u32 $0x2800, s1  }
0x8: {  	[smem:$0x7FF] =	sst s4;
	s8 =	sshll.u32 s1, $0xA;
	s12 =	smul.u32 $0x50000, s1  }
0x9: {  	s5 =	sadd.s32 $0xFC00, s6;
	s31 =	sshll.u32 s1, $0x6;
	s9 =	smul.u32 $0x28000, s7  }
0xa: {  	_ =	strace $0x80000047;
	s8 =	sadd.s32 s8, s6;
	s10 =	ssub.s32 $0x2, s7  }
0xb: {  	s7 =	sshll.u32 s7, $0xE;
	s11 =	sshrl.u32 s10, $0x1;
	s30 =	sshrl.u32 s12, $0x2  }
0xc: {  	s7 =	sadd.s32 s7, s8;
	s9 =	sadd.s32 s29, s9;
	s10 =	ssub.s32 s10, s11  }
0xd: {  	s12 =	sadd.s32 s30, s3;
	s7 =	sadd.s32 $0x7C00, s7;
	s9 =	sadd.s32 s9, s6  }
0xe: {  	s11 =	simm.s32 $0x1;
	s6 =	sor.u32 $0x1C01, s31;
	s8 =	sadd.s32 $0x12400, s9  }
0xf: {  	s9 =	smax.u32 s10, $0x1;
	s10 =	sshrl.u32 s12, $0x3;
	s12 =	simm.s32 $0x2080  }
.LBB2_1:
0x10: {  	[spmem:s10], [sflag:s6] =	dma.local [hbm:s5], $0x2800  }
0x11: {  	_ =	swait.ge [sflag:s11], $0x2800  }
0x12: {  	[sflag:s11] =	ssyncset.done $0x0  }
0x13: {  	[sflag:s11] =	ssyncadd.s32 $0xFFFFD800  }
0x14: {  	[tilespmem:s12], [sflag:$0x1] =	stream.linear.gather [hbm4b:s2+s4], $0x2800, $0x38;
	[tilespmem:$0x18880] =	vst v63  }
0x15: {  	_ =	swait.ge [sflag:s11], $0x2800  }
0x16: {  	[sflag:s11] =	ssyncset.done $0x0  }
0x17: {  	[sflag:s11] =	ssyncadd.s32 $0xFFFFD800  }
0x18: {  	[tilespmem:s4], [sflag:$0x1] =	stream.linear.gather [hbm4b:s7+s4], $0x2000, $0x38;
	[tilespmem:$0x18880] =	vst v63  }
0x19: {  	_ =	swait.ge [sflag:s11], $0x2000  }
0x1a: {  	[sflag:s11] =	ssyncset.done $0x0  }
0x1b: {  	[sflag:s11] =	ssyncadd.s32 $0xFFFFE000  }
0x1c: {  	s16 =	simm.s32 $0x0;
	[bflag:$0x0] =	sbarrier.arrive $0xFFFF  }
0x1d: {  	v0 =	vld [tilespmem:s16+$0x0];
	_ =	sdelay $0x4  }
0x1e: {  	[tilespmem:$0x2000] =	vst v0  }
0x1f: {  	v0 =	vld [tilespmem:s16+$0x10];
	_ =	sdelay $0x4  }
0x20: {  	[tilespmem:$0x2010] =	vst v0  }
0x21: {  	v0 =	vld [tilespmem:s16+$0x20];
	_ =	sdelay $0x4  }
0x22: {  	[tilespmem:$0x2020] =	vst v0  }
0x23: {  	v0 =	vld [tilespmem:s16+$0x30];
	_ =	sdelay $0x4  }
0x24: {  	[tilespmem:$0x2030] =	vst v0  }
0x25: {  	v0 =	vld [tilespmem:s16+$0x40];
	_ =	sdelay $0x4  }
0x26: {  	[tilespmem:$0x2040] =	vst v0  }
0x27: {  	[spmem:s3] =	stream.indirect.scatter.add.f32 [tilespmem:s12], [sflag:$0x1], $0x80, s14, s13, $0xb8;
	[tilespmem:$0x18880] =	vst v63  }
0x28: {  	_ =	swait.ge [sflag:s11], $0x2800  }
0x29: {  	s17 =	simm.s32 $0x400;
	s16 =	simm.s32 $0x200;
	[sflag:s11] =	ssyncset.done $0x0  }
.LBB2_2:
0x2a: {  	s18 =	sshra.s32 s16, $0x2  }
0x2b: {  	[sflag:s11] =	ssyncadd.s32 $0xFFFFD800;
	s16 =	smov.u32 s17;
	s19 =	sadd.s32 $0x200, s17  }
0x2c: {  	p0 =	sne.s32 s17, $0x7E00;
	v0 =	vld [tilespmem:s18+$0x0];
	_ =	sdelay $0x4  }
0x2d: {  	[tilespmem:$0x2000] =	vst v0  }
0x2e: {  	v0 =	vld [tilespmem:s18+$0x10];
	_ =	sdelay $0x4  }
0x2f: {  	[tilespmem:$0x2010] =	vst v0  }
0x30: {  	v0 =	vld [tilespmem:s18+$0x20];
	_ =	sdelay $0x4  }
0x31: {  	[tilespmem:$0x2020] =	vst v0  }
0x32: {  	v0 =	vld [tilespmem:s18+$0x30];
	_ =	sdelay $0x4  }
0x33: {  	[tilespmem:$0x2030] =	vst v0  }
0x34: {  	v0 =	vld [tilespmem:s18+$0x40];
	_ =	sdelay $0x3  }
.Ltmp0:
0x35: {  	(pc) =	sbr.rel @p0 .LBB2_2-.Ltmp0, $4  }
0x36: {  	[tilespmem:$0x2040] =	vst v0  }
0x37: {  	[spmem:s3] =	stream.indirect.scatter.add.f32 [tilespmem:s12], [sflag:$0x1], $0x80, s14, s13, $0xb8;
	[tilespmem:$0x18880] =	vst v63  }
0x38: {  	_ =	swait.ge [sflag:s11], $0x2800  }
0x39: {  	s17 =	smov.u32 s19;
	[sflag:s11] =	ssyncset.done $0x0  }
0x3a: {  	s16 =	sshra.s32 s16, $0x2;
	[sflag:s11] =	ssyncadd.s32 $0xFFFFD800  }
0x3b: {  	v0 =	vld [tilespmem:s16+$0x0];
	_ =	sdelay $0x4  }
0x3c: {  	[tilespmem:$0x2000] =	vst v0  }
0x3d: {  	v0 =	vld [tilespmem:s16+$0x10];
	_ =	sdelay $0x4  }
0x3e: {  	[tilespmem:$0x2010] =	vst v0  }
0x3f: {  	v0 =	vld [tilespmem:s16+$0x20];
	_ =	sdelay $0x4  }
0x40: {  	[tilespmem:$0x2020] =	vst v0  }
0x41: {  	v0 =	vld [tilespmem:s16+$0x30];
	_ =	sdelay $0x4  }
0x42: {  	[tilespmem:$0x2030] =	vst v0  }
0x43: {  	v0 =	vld [tilespmem:s16+$0x40];
	_ =	sdelay $0x4  }
0x44: {  	[tilespmem:$0x2040] =	vst v0  }
0x45: {  	[spmem:s3] =	stream.indirect.scatter.add.f32 [tilespmem:s12], [sflag:$0x1], $0x80, s14, s13, $0xb8;
	[tilespmem:$0x18880] =	vst v63  }
0x46: {  	_ =	swait.ge [sflag:s11], $0x2800  }
0x47: {  	s15 =	sadd.s32 $0x1, s15;
	[sflag:s11] =	ssyncset.done $0x0  }
0x48: {  	p0 =	sne.s32 s15, s9;
	[sflag:s11] =	ssyncadd.s32 $0xFFFFD800  }
.Ltmp1:
0x49: {  	[bflag:$0x0] =	sbarrier.arrive $0xFFFF;
	(pc) =	sbr.rel @p0 .LBB2_1-.Ltmp1, $4  }
0x4a: {  	[hbm:s8], [sflag:s6] =	dma.local [spmem:s10], $0x2800  }
0x4b: {  	_ =	swait.ge [sflag:s11], $0x2800  }
0x4c: {  	[sflag:s11] =	ssyncset.done $0x0  }
0x4d: {  	[sflag:s11] =	ssyncadd.s32 $0xFFFFD800  }
0x4e: {  	_ =	sfence.sel $0x180000  }
0x4f: {  	[bflag:$0x0] =	sbarrier.arrive $0xFFFF  }
0x50: {  	p0 =	sne.s32 s1, $0x0;
	_ =	strace $0x90000047  }
0x51: {  	s0 =	sadd.s32 @!p0 $0x100000, s0;
	[bflag:$0x2] =	sbarrier.arrive $0xFFFF  }
0x52: {  	[sflag:s0] =	ssyncadd.tile.s32 @!p0 $0x1;
	_ =	shalt  }
.Lfunc_end2:
_tile_overlayer_lowered:
.L_overlay_start_2:
0x53: {  	(tag) =	ssettag $0x2  }
0x54: {  	s0 =	rddreg [dreg:$0x0];
	s2 =	stileid.u32  }
0x55: {  	s1 =	rddreg [dreg:$0x1];
	p0 =	sne.s32 s2, $0x0  }
0x56: {  	s3 =	rddreg [dreg:$0x2];
	[bflag:$0x3] =	sbarrier.arrive $0xFFFF;
	s2 =	simm.s32 @!p0 $0x1C01  }
0x57: {  	[timem:s3], [sflag:s2] =	dma.local @!p0 [hbm:s0], s1  }
0x58: {  	s0 =	simm.s32 @!p0 $0x1  }
0x59: {  	_ =	swait.ge @!p0 [sflag:s0], s1  }
0x5a: {  	s1 =	ssub.s32 @!p0 $0x0, s1;
	[sflag:s0] =	ssyncset.done @!p0 $0x0  }
0x5b: {  	[sflag:s0] =	ssyncadd.s32 @!p0 s1  }
0x5c: {  	[bflag:$0x3] =	sbarrier.arrive $0xFFFF  }
0x5d: {  	_ =	shalt  }

// kernel: kernel.13.cloned.1.call-start
scs
__scs_entry_jumppad:
0x0: {  	(pc) =	sbr.rel $0x88, $3  }
0x1: {  	(tag) =	ssettag $0x0;
	lr =	simm.s32 $0x1  }
0x2: {  	[smem:$0x3F97] =	sst lr;
	_ =	strace $0xD0000000  }
0x3: {  	_ = 	snop  }
0x4: {  	_ = 	snop  }
0x5: {  	_ = 	snop  }
0x6: {  	_ = 	snop  }
0x7: {  	_ = 	snop  }
__scs_overlays_trampoline_lowered:
0x8: {  	[smem:$0x3FA6] =	sst s0  }
0x9: {  	[smem:$0x3FA7] =	sst s1  }
0xa: {  	[smem:$0x3FA8] =	sst s2  }
0xb: {  	[smem:$0x3FA9] =	sst s3  }
0xc: {  	[smem:$0x3FAA] =	sst s4  }
0xd: {  	[smem:$0x3FAB] =	sst s5  }
0xe: {  	[smem:$0x3FAC] =	sst s6  }
0xf: {  	[smem:$0x3FAD] =	sst s7  }
0x10: {  	[smem:$0x3FAE] =	sst s8  }
0x11: {  	[smem:$0x3FAF] =	sst s9;
	s0 =	simm.s32 @!p0 $0x0  }
0x12: {  	s1 =	sld [smem:$0x3F95];
	s0 =	simm.s32 @p0 $0x1  }
0x13: {  	[smem:$0x3FB0] =	sst s0;
	s0 =	simm.s32 @!p1 $0x0  }
0x14: {  	s2 =	sld [smem:$0x3F94];
	s0 =	simm.s32 @p1 $0x1  }
0x15: {  	[smem:$0x3FB1] =	sst s0;
	s0 =	simm.s32 @!p2 $0x0  }
0x16: {  	s3 =	sld [smem:$0x3FDB];
	s0 =	simm.s32 @p2 $0x1  }
0x17: {  	s4 =	simm.s32 $0x1BF5;
	[smem:$0x3FB3] =	sst s0  }
0x18: {  	s0 =	sld [smem:$0x3F96];
	_ =	swait.ge [sflag:s4], $0x0  }
0x19: {  	s7 =	sld [smem:$0x3F97]  }
0x1a: {  	s8 =	sadd.s32 $0xFFFFE003, lr  }
0x1b: {  	s9 =	sadd.s32 $0xFFFFFEF7, lr;
	s5 =	simm.s32 $0xFFFFFFFF;
	p2 =	slt.u32 s8, $0xFFFFF086  }
0x1c: {  	p1 =	slt.u32 s9, $0xF7A;
	s5 =	simm.s32 @!p2 $0x0  }
0x1d: {  	s5 =	simm.s32 @p1 $0x1;
	p0 =	seq.s32 s7, s2  }
0x1e: {  	s7 =	smul.u32 @!p0 $0xF7A, s2;
	p2 =	seq.s32 @!p0 s5, $0x0  }
0x1f: {  	s9 =	smul.u32 $0xF7A, s1;
	s8 =	simm.s32 @!p0 $0x1BF5;
	p2 =	por !p2, p0  }
0x20: {  	[sflag:s8] =	ssyncset.s32 @!p0 $0xFFFFF086;
	s6 =	sadd.s32 @!p0 s3, s7;
	s7 =	simm.s32 @!p0 $0x108  }
0x21: {  	s3 =	sadd.s32 s3, s9;
	s6 =	sadd.s32 @!p0 $0x88, s6;
	s7 =	simm.s32 @p2 $0x1082  }
0x22: {  	[simem:s7], [sflag:s8] =	dma.local @!p0 [hbm:s6], $0xF7A  }
0x23: {  	s9 =	sor.u32 $0xD0000000, s2;
	s6 =	simm.s32 $0x108;
	_ =	swait.ge @!p0 [sflag:s8], $0x0  }
0x24: {  	s3 =	sadd.s32 $0x88, s3;
	s6 =	simm.s32 @!p1 $0x1082;
	[sflag:s4] =	ssyncset.s32 $0xFFFFF086  }
0x25: {  	[simem:s6], [sflag:s4] =	dma.local [hbm:s3], $0xF7A  }
0x26: {  	[smem:$0x3F97] =	sst s1;
	(tag) =	ssettag s2;
	_ =	strace s9  }
0x27: {  	s1 =	sld [smem:$0x3FA7]  }
0x28: {  	s2 =	sld [smem:$0x3FA8]  }
0x29: {  	s4 =	sld [smem:$0x3FAA]  }
0x2a: {  	p0 =	seq.s32 s5, $0x0;
	s5 =	sld [smem:$0x3FAB]  }
0x2b: {  	s6 =	sld [smem:$0x3FAC]  }
0x2c: {  	s7 =	sld [smem:$0x3FAD]  }
0x2d: {  	s3 =	simm.s32 $0x108;
	s8 =	sld [smem:$0x3FAE]  }
0x2e: {  	s3 =	simm.s32 @!p0 $0x1082;
	s9 =	sld [smem:$0x3FAF]  }
0x2f: {  	lr =	sadd.s32 s0, s3;
	s0 =	sld [smem:$0x3FA6]  }
0x30: {  	s3 =	sld [smem:$0x3FA9]  }
0x31: {  	[smem:$0x3FB2] =	sst s10  }
0x32: {  	s10 =	sld [smem:$0x3FB0];
	_ =	sdelay $0x3  }
0x33: {  	p0 =	seq.s32 s10, $0x1;
	s10 =	sld [smem:$0x3FB2];
	_ =	sdelay $0x3  }
0x34: {  	[smem:$0x3FB2] =	sst s10  }
0x35: {  	s10 =	sld [smem:$0x3FB1];
	_ =	sdelay $0x3  }
0x36: {  	p1 =	seq.s32 s10, $0x1;
	s10 =	sld [smem:$0x3FB2];
	_ =	sdelay $0x3  }
0x37: {  	[smem:$0x3FB2] =	sst s10  }
0x38: {  	s10 =	sld [smem:$0x3FB3]  }
0x39: {  	_ = 	snop;
	(pc) =	sbr.ind lr, $3  }
0x3a: {  	_ = 	snop  }
0x3b: {  	_ = 	snop  }
0x3c: {  	p2 =	seq.s32 s10, $0x1;
	s10 =	sld [smem:$0x3FB2]  }
0x3d: {  	_ =	shalt  }
0x3e: {  	_ =	shalt  }
0x3f: {  	_ =	shalt  }
0x40: {  	_ =	shalt  }
0x41: {  	_ =	shalt  }
0x42: {  	_ =	shalt  }
0x43: {  	_ =	shalt  }
0x44: {  	_ =	shalt  }
0x45: {  	_ =	shalt  }
0x46: {  	_ =	shalt  }
0x47: {  	_ =	shalt  }
0x48: {  	_ =	shalt  }
0x49: {  	_ =	shalt  }
0x4a: {  	_ =	shalt  }
0x4b: {  	_ =	shalt  }
0x4c: {  	_ =	shalt  }
0x4d: {  	_ =	shalt  }
0x4e: {  	_ =	shalt  }
0x4f: {  	_ =	shalt  }
0x50: {  	_ =	shalt  }
0x51: {  	_ =	shalt  }
0x52: {  	_ =	shalt  }
0x53: {  	_ =	shalt  }
0x54: {  	_ =	shalt  }
0x55: {  	_ =	shalt  }
0x56: {  	_ =	shalt  }
0x57: {  	_ =	shalt  }
0x58: {  	_ =	shalt  }
0x59: {  	_ =	shalt  }
0x5a: {  	_ =	shalt  }
0x5b: {  	_ =	shalt  }
0x5c: {  	_ =	shalt  }
0x5d: {  	_ =	shalt  }
0x5e: {  	_ =	shalt  }
0x5f: {  	_ =	shalt  }
0x60: {  	_ =	shalt  }
0x61: {  	_ =	shalt  }
0x62: {  	_ =	shalt  }
0x63: {  	_ =	shalt  }
0x64: {  	_ =	shalt  }
0x65: {  	_ =	shalt  }
0x66: {  	_ =	shalt  }
0x67: {  	_ =	shalt  }
0x68: {  	_ =	shalt  }
0x69: {  	_ =	shalt  }
0x6a: {  	_ =	shalt  }
0x6b: {  	_ =	shalt  }
0x6c: {  	_ =	shalt  }
0x6d: {  	_ =	shalt  }
0x6e: {  	_ =	shalt  }
0x6f: {  	_ =	shalt  }
0x70: {  	_ =	shalt  }
0x71: {  	_ =	shalt  }
0x72: {  	_ =	shalt  }
0x73: {  	_ =	shalt  }
0x74: {  	_ =	shalt  }
0x75: {  	_ =	shalt  }
0x76: {  	_ =	shalt  }
0x77: {  	_ =	shalt  }
0x78: {  	_ =	shalt  }
0x79: {  	_ =	shalt  }
0x7a: {  	_ =	shalt  }
0x7b: {  	_ =	shalt  }
0x7c: {  	_ =	shalt  }
0x7d: {  	_ =	shalt  }
0x7e: {  	_ =	shalt  }
0x7f: {  	_ =	shalt  }
0x80: {  	_ =	shalt  }
0x81: {  	_ =	shalt  }
0x82: {  	_ =	shalt  }
0x83: {  	_ =	shalt  }
0x84: {  	_ =	shalt  }
0x85: {  	_ =	shalt  }
0x86: {  	_ =	shalt  }
0x87: {  	_ =	shalt  }
.Lfunc_end0:
.L_simem_size_0:
called_computation.1_lowered:
.L_overlay_start_0:
0x88: {  	s2 =	sld [smem:$0x3FD9]  }
0x89: {  	s3 =	sld [smem:$0x3FFE];
	_ =	sdelay $0x1  }
0x8a: {  	s1 =	srdreg.scid  }
0x8b: {  	s0 =	sand.u32 $0x1, s1  }
0x8c: {  	s16 =	sshll.u32 s0, $0xA;
	s2 =	sadd.s32 s3, s2  }
0x8d: {  	s2 =	sadd.s32 s2, s16  }
0x8e: {  	[smem:$0x3FBE] =	sst s2  }
0x8f: {  	_ = 	snop  }
0x90: {  	(tm) =	ssettm $0x1  }
0x91: {  	s17 =	sld [smem:$0x3FFB];
	_ =	sdelay $0x3  }
0x92: {  	_ =	strace s17  }
0x93: {  	s2 =	sld [smem:$0x3FFC];
	_ =	sdelay $0x3  }
0x94: {  	_ =	strace s2  }
0x95: {  	s2 =	sld [smem:$0x3FFD];
	_ =	sdelay $0x3  }
0x96: {  	_ =	strace s2  }
0x97: {  	_ =	strace $0x8FFFFFFF  }
0x98: {  	s18 =	sld [smem:$0x3FDB];
	_ =	sdelay $0x1  }
0x99: {  	s19 =	simm.s32 $_scs_section_size  }
0x9a: {  	s4 =	simm.s32 $_size__tile_overlayer_lowered;
	s5 =	simm.s32 $_tile_overlayer_lowered  }
0x9b: {  	s22 =	simm.s32 $0x1BFF;
	s21 =	sshll.u32 s5, $0x1;
	s2 =	sadd.s32 s19, s18  }
0x9c: {  	s6 =	simm.s32 $0x0;
	s20 =	sshll.u32 s4, $0x1;
	s4 =	sadd.s32 s21, s2  }
0x9d: {  	[timem:s6], [sflag:s22] =	dma.local [hbm:s4], s20  }
0x9e: {  	_ =	swait.ge [sflag:s22], s20  }
0x9f: {  	s3 =	ssub.s32 $0x0, s20;
	[sflag:s22] =	ssyncset.done $0x0  }
0xa0: {  	[sflag:s22] =	ssyncadd.s32 s3;
	_ =	sdelay $0x1  }
0xa1: {  	s23 =	simm.s32 $0x1B8B  }
0xa2: {  	_ =	swait.ge [sflag:s23], $0x1  }
0xa3: {  	[sflag:s23] =	ssyncset.done $0x0  }
0xa4: {  	s25 =	simm.s32 $0x1B8E;
	s24 =	sld [smem:$0x3FFE];
	[sflag:s23] =	ssyncadd.s32 $0xFFFFFFFF  }
0xa5: {  	s26 =	simm.s32 $execute0_lowered;
	[smem:$0x3FD2] =	sst s25  }
0xa6: {  	s4 =	sshll.u32 s26, $0x1;
	_ =	strace $0x80000049;
	[dreg:$0x1] =	wrdreg $0xFFFFFFFF  }
0xa7: {  	s28 =	simm.s32 $_size_execute0_lowered;
	s2 =	sadd.s32 s2, s4;
	[dreg:$0x0] =	wrdreg $0x0  }
0xa8: {  	s4 =	sshll.u32 s28, $0x1;
	[dreg:$0x2] =	wrdreg s2  }
0xa9: {  	[dreg:$0x3] =	wrdreg s4  }
0xaa: {  	[dreg:$0x4] =	wrdreg $0xC0  }
0xab: {  	_ =	task [dreg:s6], $0x5FFFF  }
0xac: {  	[dreg:$0x1] =	wrdreg $0xFFFFFFFF  }
0xad: {  	[dreg:$0x0] =	wrdreg $0x60  }
0xae: {  	[dreg:$0x2] =	wrdreg s24  }
0xaf: {  	[dreg:$0x3] =	wrdreg $0x29000  }
0xb0: {  	[dreg:$0x4] =	wrdreg $0x9  }
0xb1: {  	_ =	task.clear_ibuf [dreg:s6], $0x5FFFF;
	_ =	strace $0x90000049  }
0xb2: {  	s29 =	simm.s32 $0x9;
	_ =	strace $0x8000004B  }
0xb3: {  	_ =	swait.ge [sflag:s29], $0x1  }
0xb4: {  	[sflag:s29] =	ssyncadd.s32 $0xFFFFFFFF  }
0xb5: {  	_ =	strace $0x9000004B  }
0xb6: {  	_ =	sfence  }
0xb7: {  	s30 =	sld [smem:$0x0];
	_ =	sdelay $0x2  }
0xb8: {  	s31 =	sshll.u32 s1, $0xD;
	s1 =	sshrl.u32 s1, $0x2  }
0xb9: {  	s3 =	sand.u32 $0x4000, s31;
	s1 =	sadd.s32 s1, s30  }
0xba: {  	s0 =	sor.u32 s3, s0;
	s1 =	sshll.u32 s1, $0x11  }
0xbb: {  	s0 =	sor.u32 s1, s0  }
0xbc: {  	s0 =	sadd.s32 $0x8F2B, s0  }
0xbd: {  	[sflag:s0] =	ssyncadd.remote.s32 $0x1  }
0xbe: {  	_ =	sfence.sel $0xFFFF  }
0xbf: {  	[dreg:$0x0] =	wrdreg $0xFFFFFFFF;
	(pc) =	sbr.abs _section_cstart, $3  }
0xc0: {  	[dreg:$0x1] =	wrdreg $0xFFFFFFFF  }
0xc1: {  	_ =	task.clear_ibuf [dreg:s6], $0x2FFFF;
	_ =	strace $0x9FFFFFFF  }
0xc2: {  	(tm) =	ssettm $0x7FFFFFFF  }
0xc3: {  	_ =	shalt  }
tec
execute0_lowered:
.L_overlay_start_1:
0x0: {  	(tag) =	ssettag $0x1  }
0x1: {  	s6 =	rddreg [dreg:$0x0]  }
0x2: {  	s1 =	srdreg.scid;
	s0 =	stileid.u32  }
0x3: {  	s2 =	rddreg [dreg:$0x1];
	s4 =	smul.u32 $0x2710, s0  }
0x4: {  	s3 =	simm.s32 $0x0;
	s14 =	simm.s32 $0x50;
	s8 =	smul.u32 $0x4E2, s0  }
0x5: {  	s15 =	simm.s32 $0x100;
	s16 =	simm.s32 $0x1;
	s9 =	smul.u32 $0x2800, s0  }
0x6: {  	s7 =	sand.u32 $0x1, s1;
	s1 =	rddreg [dreg:$0x2];
	s28 =	smul.u32 $0x50000, s0  }
0x7: {  	s17 =	simm.s32 $0x0;
	[smem:$0x7FF] =	sst s3;
	s5 =	smul.u32 $0x27100, s7  }
0x8: {  	s31 =	sshll.u32 s0, $0x6;
	s10 =	smul.u32 $0x28000, s7;
	s7 =	ssub.s32 $0x2, s7  }
0x9: {  	_ =	strace $0x8000004A;
	s12 =	sadd.s32 s8, s6;
	s29 =	sshrl.u32 s7, $0x1  }
0xa: {  	s8 =	sshrl.u32 s28, $0x2;
	s5 =	sadd.s32 s5, s4;
	s4 =	sadd.s32 $0x6C200, s6  }
0xb: {  	s9 =	sadd.s32 s9, s10;
	s30 =	ssub.s32 s7, s29;
	s13 =	sadd.s32 s8, s2  }
0xc: {  	s10 =	sadd.s32 $0x2C00, s12;
	s12 =	simm.s32 $0x2;
	s5 =	sshrl.u32 s5, $0x3  }
0xd: {  	s9 =	sadd.s32 s9, s6;
	s8 =	smax.u32 s30, $0x1;
	s11 =	sadd.s32 s5, s6  }
0xe: {  	s5 =	sadd.s32 $0xFC00, s6;
	s6 =	sor.u32 $0x1C02, s31;
	s7 =	sadd.s32 $0xBC200, s9  }
0xf: {  	s9 =	sadd.s32 $0x62400, s11;
	s11 =	sshrl.u32 s13, $0x3;
	s13 =	simm.s32 $0x80  }
.LBB2_1:
0x10: {  	[spmem:s11], [sflag:s6] =	dma.local [hbm:s5], $0x2800  }
0x11: {  	_ =	swait.ge [sflag:s12], $0x2800  }
0x12: {  	[sflag:s12] =	ssyncset.done $0x0  }
0x13: {  	[sflag:s12] =	ssyncadd.s32 $0xFFFFD800  }
0x14: {  	s18 =	sadd.s32 $0x0, s9;
	[bflag:$0x0] =	sbarrier.arrive $0xFFFF  }
0x15: {  	[tilespmem:s3], [sflag:$0x2] =	stream.linear.gather [hbm4b:s18+s3], $0x50, $0x38;
	[tilespmem:$0x16900] =	vst v63  }
0x16: {  	_ =	swait.ge [sflag:s12], $0x50  }
0x17: {  	[sflag:s12] =	ssyncset.done $0x0  }
0x18: {  	s31 =	sadd.s32 $0x0, s10;
	[sflag:s12] =	ssyncadd.s32 $0xFFFFFFB0  }
0x19: {  	[tilespmem:s13], [sflag:$0x2] =	stream.linear.gather [hbm4b:s31+s3], $0x50, $0x38;
	[tilespmem:$0x16900] =	vst v63  }
0x1a: {  	_ =	swait.ge [sflag:s12], $0x50  }
0x1b: {  	[sflag:s12] =	ssyncset.done $0x0  }
0x1c: {  	[sflag:s12] =	ssyncadd.s32 $0xFFFFFFB0  }
0x1d: {  	[tilespmem:s15], [sflag:$0x1] =	stream.indirect.gather [hbm4b:s4+s14], $0x80, s3, s14, $0xb8;
	[tilespmem:$0x16900] =	vst v63  }
0x1e: {  	_ =	swait.ge [sflag:s16], $0x2800  }
0x1f: {  	[sflag:s16] =	ssyncset.done $0x0  }
0x20: {  	[sflag:s16] =	ssyncadd.s32 $0xFFFFD800  }
0x21: {  	[spmem:s2] =	stream.indirect.scatter.add.f32 [tilespmem:s15], [sflag:$0x2], $0x80, s13, s14, $0xb8;
	[tilespmem:$0x16900] =	vst v63  }
0x22: {  	_ =	swait.ge [sflag:s12], $0x2800  }
0x23: {  	s19 =	simm.s32 $0x14;
	s18 =	simm.s32 $0xA;
	[sflag:s12] =	ssyncset.done $0x0  }
.LBB2_2:
0x24: {  	s20 =	sadd.s32 s18, s9  }
0x25: {  	[sflag:s12] =	ssyncadd.s32 $0xFFFFD800;
	s21 =	smov.u32 s19;
	s22 =	sadd.s32 $0xA, s19  }
0x26: {  	[tilespmem:s3], [sflag:$0x2] =	stream.linear.gather [hbm4b:s20+s3], $0x50, $0x38;
	[tilespmem:$0x16900] =	vst v63  }
0x27: {  	p0 =	sne.s32 s19, $0x4D8;
	_ =	swait.ge [sflag:s12], $0x50  }
0x28: {  	[sflag:s12] =	ssyncset.done $0x0  }
0x29: {  	s19 =	sadd.s32 s18, s10;
	s18 =	smov.u32 s21;
	[sflag:s12] =	ssyncadd.s32 $0xFFFFFFB0  }
0x2a: {  	[tilespmem:s13], [sflag:$0x2] =	stream.linear.gather [hbm4b:s19+s3], $0x50, $0x38;
	[tilespmem:$0x16900] =	vst v63  }
0x2b: {  	_ =	swait.ge [sflag:s12], $0x50  }
0x2c: {  	[sflag:s12] =	ssyncset.done $0x0  }
0x2d: {  	[sflag:s12] =	ssyncadd.s32 $0xFFFFFFB0  }
0x2e: {  	[tilespmem:s15], [sflag:$0x1] =	stream.indirect.gather [hbm4b:s4+s14], $0x80, s3, s14, $0xb8;
	[tilespmem:$0x16900] =	vst v63  }
0x2f: {  	_ =	swait.ge [sflag:s16], $0x2800  }
.Ltmp0:
0x30: {  	[sflag:s16] =	ssyncset.done $0x0;
	(pc) =	sbr.rel @p0 .LBB2_2-.Ltmp0, $4  }
0x31: {  	[sflag:s16] =	ssyncadd.s32 $0xFFFFD800  }
0x32: {  	[spmem:s2] =	stream.indirect.scatter.add.f32 [tilespmem:s15], [sflag:$0x2], $0x80, s13, s14, $0xb8;
	[tilespmem:$0x16900] =	vst v63  }
0x33: {  	_ =	swait.ge [sflag:s12], $0x2800  }
0x34: {  	s19 =	smov.u32 s22;
	[sflag:s12] =	ssyncset.done $0x0  }
0x35: {  	s19 =	sadd.s32 s18, s9;
	[sflag:s12] =	ssyncadd.s32 $0xFFFFD800  }
0x36: {  	[tilespmem:s3], [sflag:$0x2] =	stream.linear.gather [hbm4b:s19+s3], $0x50, $0x38;
	[tilespmem:$0x16900] =	vst v63  }
0x37: {  	_ =	swait.ge [sflag:s12], $0x50  }
0x38: {  	[sflag:s12] =	ssyncset.done $0x0  }
0x39: {  	s31 =	sadd.s32 s18, s10;
	[sflag:s12] =	ssyncadd.s32 $0xFFFFFFB0  }
0x3a: {  	[tilespmem:s13], [sflag:$0x2] =	stream.linear.gather [hbm4b:s31+s3], $0x50, $0x38;
	[tilespmem:$0x16900] =	vst v63  }
0x3b: {  	_ =	swait.ge [sflag:s12], $0x50  }
0x3c: {  	[sflag:s12] =	ssyncset.done $0x0  }
0x3d: {  	[sflag:s12] =	ssyncadd.s32 $0xFFFFFFB0  }
0x3e: {  	[tilespmem:s15], [sflag:$0x1] =	stream.indirect.gather [hbm4b:s4+s14], $0x80, s3, s14, $0xb8;
	[tilespmem:$0x16900] =	vst v63  }
0x3f: {  	_ =	swait.ge [sflag:s16], $0x2800  }
0x40: {  	[sflag:s16] =	ssyncset.done $0x0  }
0x41: {  	[sflag:s16] =	ssyncadd.s32 $0xFFFFD800  }
0x42: {  	[spmem:s2] =	stream.indirect.scatter.add.f32 [tilespmem:s15], [sflag:$0x2], $0x80, s13, s14, $0xb8;
	[tilespmem:$0x16900] =	vst v63  }
0x43: {  	_ =	swait.ge [sflag:s12], $0x2800  }
0x44: {  	s17 =	sadd.s32 $0x1, s17;
	[sflag:s12] =	ssyncset.done $0x0  }
0x45: {  	p0 =	sne.s32 s17, s8;
	[sflag:s12] =	ssyncadd.s32 $0xFFFFD800  }
.Ltmp1:
0x46: {  	[bflag:$0x0] =	sbarrier.arrive $0xFFFF;
	(pc) =	sbr.rel @p0 .LBB2_1-.Ltmp1, $4  }
0x47: {  	[hbm:s7], [sflag:s6] =	dma.local [spmem:s11], $0x2800  }
0x48: {  	_ =	swait.ge [sflag:s12], $0x2800  }
0x49: {  	[sflag:s12] =	ssyncset.done $0x0  }
0x4a: {  	[sflag:s12] =	ssyncadd.s32 $0xFFFFD800  }
0x4b: {  	_ =	sfence.sel $0x180000  }
0x4c: {  	[bflag:$0x0] =	sbarrier.arrive $0xFFFF  }
0x4d: {  	p0 =	sne.s32 s0, $0x0;
	_ =	strace $0x9000004A  }
0x4e: {  	s0 =	sadd.s32 @!p0 $0x100000, s1;
	[bflag:$0x2] =	sbarrier.arrive $0xFFFF  }
0x4f: {  	[sflag:s0] =	ssyncadd.tile.s32 @!p0 $0x1;
	_ =	shalt  }
.Lfunc_end2:
_tile_overlayer_lowered:
.L_overlay_start_2:
0x50: {  	(tag) =	ssettag $0x2  }
0x51: {  	s0 =	rddreg [dreg:$0x0];
	s2 =	stileid.u32  }
0x52: {  	s1 =	rddreg [dreg:$0x1];
	p0 =	sne.s32 s2, $0x0  }
0x53: {  	s3 =	rddreg [dreg:$0x2];
	[bflag:$0x3] =	sbarrier.arrive $0xFFFF;
	s2 =	simm.s32 @!p0 $0x1C02  }
0x54: {  	[timem:s3], [sflag:s2] =	dma.local @!p0 [hbm:s0], s1  }
0x55: {  	s0 =	simm.s32 @!p0 $0x2  }
0x56: {  	_ =	swait.ge @!p0 [sflag:s0], s1  }
0x57: {  	s1 =	ssub.s32 @!p0 $0x0, s1;
	[sflag:s0] =	ssyncset.done @!p0 $0x0  }
0x58: {  	[sflag:s0] =	ssyncadd.s32 @!p0 s1  }
0x59: {  	[bflag:$0x3] =	sbarrier.arrive $0xFFFF  }
0x5a: {  	_ =	shalt  }

// kernel: kernel.16.cloned.1.call-start
scs
__scs_entry_jumppad:
0x0: {  	(pc) =	sbr.rel $0x88, $3  }
0x1: {  	(tag) =	ssettag $0x0;
	lr =	simm.s32 $0x1  }
0x2: {  	[smem:$0x3F97] =	sst lr;
	_ =	strace $0xD0000000  }
0x3: {  	_ = 	snop  }
0x4: {  	_ = 	snop  }
0x5: {  	_ = 	snop  }
0x6: {  	_ = 	snop  }
0x7: {  	_ = 	snop  }
__scs_overlays_trampoline_lowered:
0x8: {  	[smem:$0x3FA6] =	sst s0  }
0x9: {  	[smem:$0x3FA7] =	sst s1  }
0xa: {  	[smem:$0x3FA8] =	sst s2  }
0xb: {  	[smem:$0x3FA9] =	sst s3  }
0xc: {  	[smem:$0x3FAA] =	sst s4  }
0xd: {  	[smem:$0x3FAB] =	sst s5  }
0xe: {  	[smem:$0x3FAC] =	sst s6  }
0xf: {  	[smem:$0x3FAD] =	sst s7  }
0x10: {  	[smem:$0x3FAE] =	sst s8  }
0x11: {  	[smem:$0x3FAF] =	sst s9;
	s0 =	simm.s32 @!p0 $0x0  }
0x12: {  	s1 =	sld [smem:$0x3F95];
	s0 =	simm.s32 @p0 $0x1  }
0x13: {  	[smem:$0x3FB0] =	sst s0;
	s0 =	simm.s32 @!p1 $0x0  }
0x14: {  	s2 =	sld [smem:$0x3F94];
	s0 =	simm.s32 @p1 $0x1  }
0x15: {  	[smem:$0x3FB1] =	sst s0;
	s0 =	simm.s32 @!p2 $0x0  }
0x16: {  	s3 =	sld [smem:$0x3FDB];
	s0 =	simm.s32 @p2 $0x1  }
0x17: {  	s4 =	simm.s32 $0x1BF5;
	[smem:$0x3FB3] =	sst s0  }
0x18: {  	s0 =	sld [smem:$0x3F96];
	_ =	swait.ge [sflag:s4], $0x0  }
0x19: {  	s7 =	sld [smem:$0x3F97]  }
0x1a: {  	s8 =	sadd.s32 $0xFFFFE003, lr  }
0x1b: {  	s9 =	sadd.s32 $0xFFFFFEF7, lr;
	s5 =	simm.s32 $0xFFFFFFFF;
	p2 =	slt.u32 s8, $0xFFFFF086  }
0x1c: {  	p1 =	slt.u32 s9, $0xF7A;
	s5 =	simm.s32 @!p2 $0x0  }
0x1d: {  	s5 =	simm.s32 @p1 $0x1;
	p0 =	seq.s32 s7, s2  }
0x1e: {  	s7 =	smul.u32 @!p0 $0xF7A, s2;
	p2 =	seq.s32 @!p0 s5, $0x0  }
0x1f: {  	s9 =	smul.u32 $0xF7A, s1;
	s8 =	simm.s32 @!p0 $0x1BF5;
	p2 =	por !p2, p0  }
0x20: {  	[sflag:s8] =	ssyncset.s32 @!p0 $0xFFFFF086;
	s6 =	sadd.s32 @!p0 s3, s7;
	s7 =	simm.s32 @!p0 $0x108  }
0x21: {  	s3 =	sadd.s32 s3, s9;
	s6 =	sadd.s32 @!p0 $0x88, s6;
	s7 =	simm.s32 @p2 $0x1082  }
0x22: {  	[simem:s7], [sflag:s8] =	dma.local @!p0 [hbm:s6], $0xF7A  }
0x23: {  	s9 =	sor.u32 $0xD0000000, s2;
	s6 =	simm.s32 $0x108;
	_ =	swait.ge @!p0 [sflag:s8], $0x0  }
0x24: {  	s3 =	sadd.s32 $0x88, s3;
	s6 =	simm.s32 @!p1 $0x1082;
	[sflag:s4] =	ssyncset.s32 $0xFFFFF086  }
0x25: {  	[simem:s6], [sflag:s4] =	dma.local [hbm:s3], $0xF7A  }
0x26: {  	[smem:$0x3F97] =	sst s1;
	(tag) =	ssettag s2;
	_ =	strace s9  }
0x27: {  	s1 =	sld [smem:$0x3FA7]  }
0x28: {  	s2 =	sld [smem:$0x3FA8]  }
0x29: {  	s4 =	sld [smem:$0x3FAA]  }
0x2a: {  	p0 =	seq.s32 s5, $0x0;
	s5 =	sld [smem:$0x3FAB]  }
0x2b: {  	s6 =	sld [smem:$0x3FAC]  }
0x2c: {  	s7 =	sld [smem:$0x3FAD]  }
0x2d: {  	s3 =	simm.s32 $0x108;
	s8 =	sld [smem:$0x3FAE]  }
0x2e: {  	s3 =	simm.s32 @!p0 $0x1082;
	s9 =	sld [smem:$0x3FAF]  }
0x2f: {  	lr =	sadd.s32 s0, s3;
	s0 =	sld [smem:$0x3FA6]  }
0x30: {  	s3 =	sld [smem:$0x3FA9]  }
0x31: {  	[smem:$0x3FB2] =	sst s10  }
0x32: {  	s10 =	sld [smem:$0x3FB0];
	_ =	sdelay $0x3  }
0x33: {  	p0 =	seq.s32 s10, $0x1;
	s10 =	sld [smem:$0x3FB2];
	_ =	sdelay $0x3  }
0x34: {  	[smem:$0x3FB2] =	sst s10  }
0x35: {  	s10 =	sld [smem:$0x3FB1];
	_ =	sdelay $0x3  }
0x36: {  	p1 =	seq.s32 s10, $0x1;
	s10 =	sld [smem:$0x3FB2];
	_ =	sdelay $0x3  }
0x37: {  	[smem:$0x3FB2] =	sst s10  }
0x38: {  	s10 =	sld [smem:$0x3FB3]  }
0x39: {  	_ = 	snop;
	(pc) =	sbr.ind lr, $3  }
0x3a: {  	_ = 	snop  }
0x3b: {  	_ = 	snop  }
0x3c: {  	p2 =	seq.s32 s10, $0x1;
	s10 =	sld [smem:$0x3FB2]  }
0x3d: {  	_ =	shalt  }
0x3e: {  	_ =	shalt  }
0x3f: {  	_ =	shalt  }
0x40: {  	_ =	shalt  }
0x41: {  	_ =	shalt  }
0x42: {  	_ =	shalt  }
0x43: {  	_ =	shalt  }
0x44: {  	_ =	shalt  }
0x45: {  	_ =	shalt  }
0x46: {  	_ =	shalt  }
0x47: {  	_ =	shalt  }
0x48: {  	_ =	shalt  }
0x49: {  	_ =	shalt  }
0x4a: {  	_ =	shalt  }
0x4b: {  	_ =	shalt  }
0x4c: {  	_ =	shalt  }
0x4d: {  	_ =	shalt  }
0x4e: {  	_ =	shalt  }
0x4f: {  	_ =	shalt  }
0x50: {  	_ =	shalt  }
0x51: {  	_ =	shalt  }
0x52: {  	_ =	shalt  }
0x53: {  	_ =	shalt  }
0x54: {  	_ =	shalt  }
0x55: {  	_ =	shalt  }
0x56: {  	_ =	shalt  }
0x57: {  	_ =	shalt  }
0x58: {  	_ =	shalt  }
0x59: {  	_ =	shalt  }
0x5a: {  	_ =	shalt  }
0x5b: {  	_ =	shalt  }
0x5c: {  	_ =	shalt  }
0x5d: {  	_ =	shalt  }
0x5e: {  	_ =	shalt  }
0x5f: {  	_ =	shalt  }
0x60: {  	_ =	shalt  }
0x61: {  	_ =	shalt  }
0x62: {  	_ =	shalt  }
0x63: {  	_ =	shalt  }
0x64: {  	_ =	shalt  }
0x65: {  	_ =	shalt  }
0x66: {  	_ =	shalt  }
0x67: {  	_ =	shalt  }
0x68: {  	_ =	shalt  }
0x69: {  	_ =	shalt  }
0x6a: {  	_ =	shalt  }
0x6b: {  	_ =	shalt  }
0x6c: {  	_ =	shalt  }
0x6d: {  	_ =	shalt  }
0x6e: {  	_ =	shalt  }
0x6f: {  	_ =	shalt  }
0x70: {  	_ =	shalt  }
0x71: {  	_ =	shalt  }
0x72: {  	_ =	shalt  }
0x73: {  	_ =	shalt  }
0x74: {  	_ =	shalt  }
0x75: {  	_ =	shalt  }
0x76: {  	_ =	shalt  }
0x77: {  	_ =	shalt  }
0x78: {  	_ =	shalt  }
0x79: {  	_ =	shalt  }
0x7a: {  	_ =	shalt  }
0x7b: {  	_ =	shalt  }
0x7c: {  	_ =	shalt  }
0x7d: {  	_ =	shalt  }
0x7e: {  	_ =	shalt  }
0x7f: {  	_ =	shalt  }
0x80: {  	_ =	shalt  }
0x81: {  	_ =	shalt  }
0x82: {  	_ =	shalt  }
0x83: {  	_ =	shalt  }
0x84: {  	_ =	shalt  }
0x85: {  	_ =	shalt  }
0x86: {  	_ =	shalt  }
0x87: {  	_ =	shalt  }
.Lfunc_end0:
.L_simem_size_0:
called_computation.2_lowered:
.L_overlay_start_0:
0x88: {  	s2 =	sld [smem:$0x3FD9]  }
0x89: {  	s3 =	sld [smem:$0x3FFE];
	_ =	sdelay $0x1  }
0x8a: {  	s1 =	srdreg.scid  }
0x8b: {  	s0 =	sand.u32 $0x1, s1  }
0x8c: {  	s16 =	sshll.u32 s0, $0xA;
	s2 =	sadd.s32 s3, s2  }
0x8d: {  	s2 =	sadd.s32 s2, s16  }
0x8e: {  	[smem:$0x3FBE] =	sst s2  }
0x8f: {  	_ = 	snop  }
0x90: {  	(tm) =	ssettm $0x1  }
0x91: {  	s17 =	sld [smem:$0x3FFB];
	_ =	sdelay $0x3  }
0x92: {  	_ =	strace s17  }
0x93: {  	s2 =	sld [smem:$0x3FFC];
	_ =	sdelay $0x3  }
0x94: {  	_ =	strace s2  }
0x95: {  	s2 =	sld [smem:$0x3FFD];
	_ =	sdelay $0x3  }
0x96: {  	_ =	strace s2  }
0x97: {  	_ =	strace $0x8FFFFFFF  }
0x98: {  	s18 =	sld [smem:$0x3FDB];
	_ =	sdelay $0x1  }
0x99: {  	s19 =	simm.s32 $_scs_section_size  }
0x9a: {  	s4 =	simm.s32 $_size__tile_overlayer_lowered;
	s5 =	simm.s32 $_tile_overlayer_lowered  }
0x9b: {  	s22 =	simm.s32 $0x1BFF;
	s21 =	sshll.u32 s5, $0x1;
	s2 =	sadd.s32 s19, s18  }
0x9c: {  	s6 =	simm.s32 $0x0;
	s20 =	sshll.u32 s4, $0x1;
	s4 =	sadd.s32 s21, s2  }
0x9d: {  	[timem:s6], [sflag:s22] =	dma.local [hbm:s4], s20  }
0x9e: {  	_ =	swait.ge [sflag:s22], s20  }
0x9f: {  	s3 =	ssub.s32 $0x0, s20;
	[sflag:s22] =	ssyncset.done $0x0  }
0xa0: {  	[sflag:s22] =	ssyncadd.s32 s3;
	_ =	sdelay $0x1  }
0xa1: {  	s23 =	simm.s32 $0x1B8B  }
0xa2: {  	_ =	swait.ge [sflag:s23], $0x1  }
0xa3: {  	[sflag:s23] =	ssyncset.done $0x0  }
0xa4: {  	s25 =	simm.s32 $0x1B8E;
	s24 =	sld [smem:$0x3FFE];
	[sflag:s23] =	ssyncadd.s32 $0xFFFFFFFF  }
0xa5: {  	s26 =	simm.s32 $execute0_lowered;
	[smem:$0x3FD2] =	sst s25  }
0xa6: {  	s4 =	sshll.u32 s26, $0x1;
	_ =	strace $0x8000004C;
	[dreg:$0x1] =	wrdreg $0xFFFFFFFF  }
0xa7: {  	s28 =	simm.s32 $_size_execute0_lowered;
	s2 =	sadd.s32 s2, s4;
	[dreg:$0x0] =	wrdreg $0x0  }
0xa8: {  	s4 =	sshll.u32 s28, $0x1;
	[dreg:$0x2] =	wrdreg s2  }
0xa9: {  	[dreg:$0x3] =	wrdreg s4  }
0xaa: {  	[dreg:$0x4] =	wrdreg $0xC0  }
0xab: {  	_ =	task [dreg:s6], $0x5FFFF  }
0xac: {  	[dreg:$0x1] =	wrdreg $0xFFFFFFFF  }
0xad: {  	[dreg:$0x0] =	wrdreg $0x60  }
0xae: {  	[dreg:$0x2] =	wrdreg s24  }
0xaf: {  	[dreg:$0x3] =	wrdreg $0x29000  }
0xb0: {  	[dreg:$0x4] =	wrdreg $0x9  }
0xb1: {  	_ =	task.clear_ibuf [dreg:s6], $0x5FFFF;
	_ =	strace $0x9000004C  }
0xb2: {  	s29 =	simm.s32 $0x9;
	_ =	strace $0x8000004E  }
0xb3: {  	_ =	swait.ge [sflag:s29], $0x1  }
0xb4: {  	[sflag:s29] =	ssyncadd.s32 $0xFFFFFFFF  }
0xb5: {  	_ =	strace $0x9000004E  }
0xb6: {  	_ =	sfence  }
0xb7: {  	s30 =	sld [smem:$0x0];
	_ =	sdelay $0x2  }
0xb8: {  	s31 =	sshll.u32 s1, $0xD;
	s1 =	sshrl.u32 s1, $0x2  }
0xb9: {  	s3 =	sand.u32 $0x4000, s31;
	s1 =	sadd.s32 s1, s30  }
0xba: {  	s0 =	sor.u32 s3, s0;
	s1 =	sshll.u32 s1, $0x11  }
0xbb: {  	s0 =	sor.u32 s1, s0  }
0xbc: {  	s0 =	sadd.s32 $0x8F2B, s0  }
0xbd: {  	[sflag:s0] =	ssyncadd.remote.s32 $0x1  }
0xbe: {  	_ =	sfence.sel $0xFFFF  }
0xbf: {  	[dreg:$0x0] =	wrdreg $0xFFFFFFFF;
	(pc) =	sbr.abs _section_cstart, $3  }
0xc0: {  	[dreg:$0x1] =	wrdreg $0xFFFFFFFF  }
0xc1: {  	_ =	task.clear_ibuf [dreg:s6], $0x2FFFF;
	_ =	strace $0x9FFFFFFF  }
0xc2: {  	(tm) =	ssettm $0x7FFFFFFF  }
0xc3: {  	_ =	shalt  }
tec
execute0_lowered:
.L_overlay_start_1:
0x0: {  	(tag) =	ssettag $0x1  }
0x1: {  	s6 =	rddreg [dreg:$0x0]  }
0x2: {  	s1 =	srdreg.scid;
	s0 =	stileid.u32  }
0x3: {  	s2 =	rddreg [dreg:$0x1];
	s4 =	smul.u32 $0x2710, s0  }
0x4: {  	s3 =	simm.s32 $0x0;
	s14 =	simm.s32 $0x50;
	s8 =	smul.u32 $0x4E2, s0  }
0x5: {  	s15 =	simm.s32 $0x100;
	s16 =	simm.s32 $0x1;
	s9 =	smul.u32 $0x2800, s0  }
0x6: {  	s7 =	sand.u32 $0x1, s1;
	s1 =	rddreg [dreg:$0x2];
	s28 =	smul.u32 $0x50000, s0  }
0x7: {  	s17 =	simm.s32 $0x0;
	[smem:$0x7FF] =	sst s3;
	s5 =	smul.u32 $0x27100, s7  }
0x8: {  	s31 =	sshll.u32 s0, $0x6;
	s10 =	smul.u32 $0x28000, s7;
	s7 =	ssub.s32 $0x2, s7  }
0x9: {  	_ =	strace $0x8000004D;
	s12 =	sadd.s32 s8, s6;
	s29 =	sshrl.u32 s7, $0x1  }
0xa: {  	s8 =	sshrl.u32 s28, $0x2;
	s5 =	sadd.s32 s5, s4;
	s4 =	sadd.s32 $0x6C200, s6  }
0xb: {  	s9 =	sadd.s32 s9, s10;
	s30 =	ssub.s32 s7, s29;
	s13 =	sadd.s32 s8, s2  }
0xc: {  	s10 =	sadd.s32 $0x2C00, s12;
	s12 =	simm.s32 $0x2;
	s5 =	sshrl.u32 s5, $0x3  }
0xd: {  	s9 =	sadd.s32 s9, s6;
	s8 =	smax.u32 s30, $0x1;
	s11 =	sadd.s32 s5, s6  }
0xe: {  	s5 =	sadd.s32 $0xFC00, s6;
	s6 =	sor.u32 $0x1C02, s31;
	s7 =	sadd.s32 $0xBC200, s9  }
0xf: {  	s9 =	sadd.s32 $0x62400, s11;
	s11 =	sshrl.u32 s13, $0x3;
	s13 =	simm.s32 $0x80  }
.LBB2_1:
0x10: {  	[spmem:s11], [sflag:s6] =	dma.local [hbm:s5], $0x2800  }
0x11: {  	_ =	swait.ge [sflag:s12], $0x2800  }
0x12: {  	[sflag:s12] =	ssyncset.done $0x0  }
0x13: {  	[sflag:s12] =	ssyncadd.s32 $0xFFFFD800  }
0x14: {  	s18 =	sadd.s32 $0x0, s9;
	[bflag:$0x0] =	sbarrier.arrive $0xFFFF  }
0x15: {  	[tilespmem:s3], [sflag:$0x2] =	stream.linear.gather [hbm4b:s18+s3], $0x50, $0x38;
	[tilespmem:$0x16900] =	vst v63  }
0x16: {  	_ =	swait.ge [sflag:s12], $0x50  }
0x17: {  	[sflag:s12] =	ssyncset.done $0x0  }
0x18: {  	s31 =	sadd.s32 $0x0, s10;
	[sflag:s12] =	ssyncadd.s32 $0xFFFFFFB0  }
0x19: {  	[tilespmem:s13], [sflag:$0x2] =	stream.linear.gather [hbm4b:s31+s3], $0x50, $0x38;
	[tilespmem:$0x16900] =	vst v63  }
0x1a: {  	_ =	swait.ge [sflag:s12], $0x50  }
0x1b: {  	[sflag:s12] =	ssyncset.done $0x0  }
0x1c: {  	[sflag:s12] =	ssyncadd.s32 $0xFFFFFFB0  }
0x1d: {  	[tilespmem:s15], [sflag:$0x1] =	stream.indirect.gather [hbm4b:s4+s14], $0x80, s3, s14, $0xb8;
	[tilespmem:$0x16900] =	vst v63  }
0x1e: {  	_ =	swait.ge [sflag:s16], $0x2800  }
0x1f: {  	[sflag:s16] =	ssyncset.done $0x0  }
0x20: {  	[sflag:s16] =	ssyncadd.s32 $0xFFFFD800  }
0x21: {  	[spmem:s2] =	stream.indirect.scatter.add.f32 [tilespmem:s15], [sflag:$0x2], $0x80, s13, s14, $0xb8;
	[tilespmem:$0x16900] =	vst v63  }
0x22: {  	_ =	swait.ge [sflag:s12], $0x2800  }
0x23: {  	s19 =	simm.s32 $0x14;
	s18 =	simm.s32 $0xA;
	[sflag:s12] =	ssyncset.done $0x0  }
.LBB2_2:
0x24: {  	s20 =	sadd.s32 s18, s9  }
0x25: {  	[sflag:s12] =	ssyncadd.s32 $0xFFFFD800;
	s21 =	smov.u32 s19;
	s22 =	sadd.s32 $0xA, s19  }
0x26: {  	[tilespmem:s3], [sflag:$0x2] =	stream.linear.gather [hbm4b:s20+s3], $0x50, $0x38;
	[tilespmem:$0x16900] =	vst v63  }
0x27: {  	p0 =	sne.s32 s19, $0x4D8;
	_ =	swait.ge [sflag:s12], $0x50  }
0x28: {  	[sflag:s12] =	ssyncset.done $0x0  }
0x29: {  	s19 =	sadd.s32 s18, s10;
	s18 =	smov.u32 s21;
	[sflag:s12] =	ssyncadd.s32 $0xFFFFFFB0  }
0x2a: {  	[tilespmem:s13], [sflag:$0x2] =	stream.linear.gather [hbm4b:s19+s3], $0x50, $0x38;
	[tilespmem:$0x16900] =	vst v63  }
0x2b: {  	_ =	swait.ge [sflag:s12], $0x50  }
0x2c: {  	[sflag:s12] =	ssyncset.done $0x0  }
0x2d: {  	[sflag:s12] =	ssyncadd.s32 $0xFFFFFFB0  }
0x2e: {  	[tilespmem:s15], [sflag:$0x1] =	stream.indirect.gather [hbm4b:s4+s14], $0x80, s3, s14, $0xb8;
	[tilespmem:$0x16900] =	vst v63  }
0x2f: {  	_ =	swait.ge [sflag:s16], $0x2800  }
.Ltmp0:
0x30: {  	[sflag:s16] =	ssyncset.done $0x0;
	(pc) =	sbr.rel @p0 .LBB2_2-.Ltmp0, $4  }
0x31: {  	[sflag:s16] =	ssyncadd.s32 $0xFFFFD800  }
0x32: {  	[spmem:s2] =	stream.indirect.scatter.add.f32 [tilespmem:s15], [sflag:$0x2], $0x80, s13, s14, $0xb8;
	[tilespmem:$0x16900] =	vst v63  }
0x33: {  	_ =	swait.ge [sflag:s12], $0x2800  }
0x34: {  	s19 =	smov.u32 s22;
	[sflag:s12] =	ssyncset.done $0x0  }
0x35: {  	s19 =	sadd.s32 s18, s9;
	[sflag:s12] =	ssyncadd.s32 $0xFFFFD800  }
0x36: {  	[tilespmem:s3], [sflag:$0x2] =	stream.linear.gather [hbm4b:s19+s3], $0x50, $0x38;
	[tilespmem:$0x16900] =	vst v63  }
0x37: {  	_ =	swait.ge [sflag:s12], $0x50  }
0x38: {  	[sflag:s12] =	ssyncset.done $0x0  }
0x39: {  	s31 =	sadd.s32 s18, s10;
	[sflag:s12] =	ssyncadd.s32 $0xFFFFFFB0  }
0x3a: {  	[tilespmem:s13], [sflag:$0x2] =	stream.linear.gather [hbm4b:s31+s3], $0x50, $0x38;
	[tilespmem:$0x16900] =	vst v63  }
0x3b: {  	_ =	swait.ge [sflag:s12], $0x50  }
0x3c: {  	[sflag:s12] =	ssyncset.done $0x0  }
0x3d: {  	[sflag:s12] =	ssyncadd.s32 $0xFFFFFFB0  }
0x3e: {  	[tilespmem:s15], [sflag:$0x1] =	stream.indirect.gather [hbm4b:s4+s14], $0x80, s3, s14, $0xb8;
	[tilespmem:$0x16900] =	vst v63  }
0x3f: {  	_ =	swait.ge [sflag:s16], $0x2800  }
0x40: {  	[sflag:s16] =	ssyncset.done $0x0  }
0x41: {  	[sflag:s16] =	ssyncadd.s32 $0xFFFFD800  }
0x42: {  	[spmem:s2] =	stream.indirect.scatter.add.f32 [tilespmem:s15], [sflag:$0x2], $0x80, s13, s14, $0xb8;
	[tilespmem:$0x16900] =	vst v63  }
0x43: {  	_ =	swait.ge [sflag:s12], $0x2800  }
0x44: {  	s17 =	sadd.s32 $0x1, s17;
	[sflag:s12] =	ssyncset.done $0x0  }
0x45: {  	p0 =	sne.s32 s17, s8;
	[sflag:s12] =	ssyncadd.s32 $0xFFFFD800  }
.Ltmp1:
0x46: {  	[bflag:$0x0] =	sbarrier.arrive $0xFFFF;
	(pc) =	sbr.rel @p0 .LBB2_1-.Ltmp1, $4  }
0x47: {  	[hbm:s7], [sflag:s6] =	dma.local [spmem:s11], $0x2800  }
0x48: {  	_ =	swait.ge [sflag:s12], $0x2800  }
0x49: {  	[sflag:s12] =	ssyncset.done $0x0  }
0x4a: {  	[sflag:s12] =	ssyncadd.s32 $0xFFFFD800  }
0x4b: {  	_ =	sfence.sel $0x180000  }
0x4c: {  	[bflag:$0x0] =	sbarrier.arrive $0xFFFF  }
0x4d: {  	p0 =	sne.s32 s0, $0x0;
	_ =	strace $0x9000004D  }
0x4e: {  	s0 =	sadd.s32 @!p0 $0x100000, s1;
	[bflag:$0x2] =	sbarrier.arrive $0xFFFF  }
0x4f: {  	[sflag:s0] =	ssyncadd.tile.s32 @!p0 $0x1;
	_ =	shalt  }
.Lfunc_end2:
_tile_overlayer_lowered:
.L_overlay_start_2:
0x50: {  	(tag) =	ssettag $0x2  }
0x51: {  	s0 =	rddreg [dreg:$0x0];
	s2 =	stileid.u32  }
0x52: {  	s1 =	rddreg [dreg:$0x1];
	p0 =	sne.s32 s2, $0x0  }
0x53: {  	s3 =	rddreg [dreg:$0x2];
	[bflag:$0x3] =	sbarrier.arrive $0xFFFF;
	s2 =	simm.s32 @!p0 $0x1C02  }
0x54: {  	[timem:s3], [sflag:s2] =	dma.local @!p0 [hbm:s0], s1  }
0x55: {  	s0 =	simm.s32 @!p0 $0x2  }
0x56: {  	_ =	swait.ge @!p0 [sflag:s0], s1  }
0x57: {  	s1 =	ssub.s32 @!p0 $0x0, s1;
	[sflag:s0] =	ssyncset.done @!p0 $0x0  }
0x58: {  	[sflag:s0] =	ssyncadd.s32 @!p0 s1  }
0x59: {  	[bflag:$0x3] =	sbarrier.arrive $0xFFFF  }
0x5a: {  	_ =	shalt  }

// kernel: kernel.19.cloned.1.call-start
scs
__scs_entry_jumppad:
0x0: {  	(pc) =	sbr.rel $0x88, $3  }
0x1: {  	(tag) =	ssettag $0x0;
	lr =	simm.s32 $0x1  }
0x2: {  	[smem:$0x3F97] =	sst lr;
	_ =	strace $0xD0000000  }
0x3: {  	_ = 	snop  }
0x4: {  	_ = 	snop  }
0x5: {  	_ = 	snop  }
0x6: {  	_ = 	snop  }
0x7: {  	_ = 	snop  }
__scs_overlays_trampoline_lowered:
0x8: {  	[smem:$0x3FA6] =	sst s0  }
0x9: {  	[smem:$0x3FA7] =	sst s1  }
0xa: {  	[smem:$0x3FA8] =	sst s2  }
0xb: {  	[smem:$0x3FA9] =	sst s3  }
0xc: {  	[smem:$0x3FAA] =	sst s4  }
0xd: {  	[smem:$0x3FAB] =	sst s5  }
0xe: {  	[smem:$0x3FAC] =	sst s6  }
0xf: {  	[smem:$0x3FAD] =	sst s7  }
0x10: {  	[smem:$0x3FAE] =	sst s8  }
0x11: {  	[smem:$0x3FAF] =	sst s9;
	s0 =	simm.s32 @!p0 $0x0  }
0x12: {  	s1 =	sld [smem:$0x3F95];
	s0 =	simm.s32 @p0 $0x1  }
0x13: {  	[smem:$0x3FB0] =	sst s0;
	s0 =	simm.s32 @!p1 $0x0  }
0x14: {  	s2 =	sld [smem:$0x3F94];
	s0 =	simm.s32 @p1 $0x1  }
0x15: {  	[smem:$0x3FB1] =	sst s0;
	s0 =	simm.s32 @!p2 $0x0  }
0x16: {  	s3 =	sld [smem:$0x3FDB];
	s0 =	simm.s32 @p2 $0x1  }
0x17: {  	s4 =	simm.s32 $0x1BF5;
	[smem:$0x3FB3] =	sst s0  }
0x18: {  	s0 =	sld [smem:$0x3F96];
	_ =	swait.ge [sflag:s4], $0x0  }
0x19: {  	s7 =	sld [smem:$0x3F97]  }
0x1a: {  	s8 =	sadd.s32 $0xFFFFE003, lr  }
0x1b: {  	s9 =	sadd.s32 $0xFFFFFEF7, lr;
	s5 =	simm.s32 $0xFFFFFFFF;
	p2 =	slt.u32 s8, $0xFFFFF086  }
0x1c: {  	p1 =	slt.u32 s9, $0xF7A;
	s5 =	simm.s32 @!p2 $0x0  }
0x1d: {  	s5 =	simm.s32 @p1 $0x1;
	p0 =	seq.s32 s7, s2  }
0x1e: {  	s7 =	smul.u32 @!p0 $0xF7A, s2;
	p2 =	seq.s32 @!p0 s5, $0x0  }
0x1f: {  	s9 =	smul.u32 $0xF7A, s1;
	s8 =	simm.s32 @!p0 $0x1BF5;
	p2 =	por !p2, p0  }
0x20: {  	[sflag:s8] =	ssyncset.s32 @!p0 $0xFFFFF086;
	s6 =	sadd.s32 @!p0 s3, s7;
	s7 =	simm.s32 @!p0 $0x108  }
0x21: {  	s3 =	sadd.s32 s3, s9;
	s6 =	sadd.s32 @!p0 $0x88, s6;
	s7 =	simm.s32 @p2 $0x1082  }
0x22: {  	[simem:s7], [sflag:s8] =	dma.local @!p0 [hbm:s6], $0xF7A  }
0x23: {  	s9 =	sor.u32 $0xD0000000, s2;
	s6 =	simm.s32 $0x108;
	_ =	swait.ge @!p0 [sflag:s8], $0x0  }
0x24: {  	s3 =	sadd.s32 $0x88, s3;
	s6 =	simm.s32 @!p1 $0x1082;
	[sflag:s4] =	ssyncset.s32 $0xFFFFF086  }
0x25: {  	[simem:s6], [sflag:s4] =	dma.local [hbm:s3], $0xF7A  }
0x26: {  	[smem:$0x3F97] =	sst s1;
	(tag) =	ssettag s2;
	_ =	strace s9  }
0x27: {  	s1 =	sld [smem:$0x3FA7]  }
0x28: {  	s2 =	sld [smem:$0x3FA8]  }
0x29: {  	s4 =	sld [smem:$0x3FAA]  }
0x2a: {  	p0 =	seq.s32 s5, $0x0;
	s5 =	sld [smem:$0x3FAB]  }
0x2b: {  	s6 =	sld [smem:$0x3FAC]  }
0x2c: {  	s7 =	sld [smem:$0x3FAD]  }
0x2d: {  	s3 =	simm.s32 $0x108;
	s8 =	sld [smem:$0x3FAE]  }
0x2e: {  	s3 =	simm.s32 @!p0 $0x1082;
	s9 =	sld [smem:$0x3FAF]  }
0x2f: {  	lr =	sadd.s32 s0, s3;
	s0 =	sld [smem:$0x3FA6]  }
0x30: {  	s3 =	sld [smem:$0x3FA9]  }
0x31: {  	[smem:$0x3FB2] =	sst s10  }
0x32: {  	s10 =	sld [smem:$0x3FB0];
	_ =	sdelay $0x3  }
0x33: {  	p0 =	seq.s32 s10, $0x1;
	s10 =	sld [smem:$0x3FB2];
	_ =	sdelay $0x3  }
0x34: {  	[smem:$0x3FB2] =	sst s10  }
0x35: {  	s10 =	sld [smem:$0x3FB1];
	_ =	sdelay $0x3  }
0x36: {  	p1 =	seq.s32 s10, $0x1;
	s10 =	sld [smem:$0x3FB2];
	_ =	sdelay $0x3  }
0x37: {  	[smem:$0x3FB2] =	sst s10  }
0x38: {  	s10 =	sld [smem:$0x3FB3]  }
0x39: {  	_ = 	snop;
	(pc) =	sbr.ind lr, $3  }
0x3a: {  	_ = 	snop  }
0x3b: {  	_ = 	snop  }
0x3c: {  	p2 =	seq.s32 s10, $0x1;
	s10 =	sld [smem:$0x3FB2]  }
0x3d: {  	_ =	shalt  }
0x3e: {  	_ =	shalt  }
0x3f: {  	_ =	shalt  }
0x40: {  	_ =	shalt  }
0x41: {  	_ =	shalt  }
0x42: {  	_ =	shalt  }
0x43: {  	_ =	shalt  }
0x44: {  	_ =	shalt  }
0x45: {  	_ =	shalt  }
0x46: {  	_ =	shalt  }
0x47: {  	_ =	shalt  }
0x48: {  	_ =	shalt  }
0x49: {  	_ =	shalt  }
0x4a: {  	_ =	shalt  }
0x4b: {  	_ =	shalt  }
0x4c: {  	_ =	shalt  }
0x4d: {  	_ =	shalt  }
0x4e: {  	_ =	shalt  }
0x4f: {  	_ =	shalt  }
0x50: {  	_ =	shalt  }
0x51: {  	_ =	shalt  }
0x52: {  	_ =	shalt  }
0x53: {  	_ =	shalt  }
0x54: {  	_ =	shalt  }
0x55: {  	_ =	shalt  }
0x56: {  	_ =	shalt  }
0x57: {  	_ =	shalt  }
0x58: {  	_ =	shalt  }
0x59: {  	_ =	shalt  }
0x5a: {  	_ =	shalt  }
0x5b: {  	_ =	shalt  }
0x5c: {  	_ =	shalt  }
0x5d: {  	_ =	shalt  }
0x5e: {  	_ =	shalt  }
0x5f: {  	_ =	shalt  }
0x60: {  	_ =	shalt  }
0x61: {  	_ =	shalt  }
0x62: {  	_ =	shalt  }
0x63: {  	_ =	shalt  }
0x64: {  	_ =	shalt  }
0x65: {  	_ =	shalt  }
0x66: {  	_ =	shalt  }
0x67: {  	_ =	shalt  }
0x68: {  	_ =	shalt  }
0x69: {  	_ =	shalt  }
0x6a: {  	_ =	shalt  }
0x6b: {  	_ =	shalt  }
0x6c: {  	_ =	shalt  }
0x6d: {  	_ =	shalt  }
0x6e: {  	_ =	shalt  }
0x6f: {  	_ =	shalt  }
0x70: {  	_ =	shalt  }
0x71: {  	_ =	shalt  }
0x72: {  	_ =	shalt  }
0x73: {  	_ =	shalt  }
0x74: {  	_ =	shalt  }
0x75: {  	_ =	shalt  }
0x76: {  	_ =	shalt  }
0x77: {  	_ =	shalt  }
0x78: {  	_ =	shalt  }
0x79: {  	_ =	shalt  }
0x7a: {  	_ =	shalt  }
0x7b: {  	_ =	shalt  }
0x7c: {  	_ =	shalt  }
0x7d: {  	_ =	shalt  }
0x7e: {  	_ =	shalt  }
0x7f: {  	_ =	shalt  }
0x80: {  	_ =	shalt  }
0x81: {  	_ =	shalt  }
0x82: {  	_ =	shalt  }
0x83: {  	_ =	shalt  }
0x84: {  	_ =	shalt  }
0x85: {  	_ =	shalt  }
0x86: {  	_ =	shalt  }
0x87: {  	_ =	shalt  }
.Lfunc_end0:
.L_simem_size_0:
called_computation.3_lowered:
.L_overlay_start_0:
0x88: {  	s2 =	sld [smem:$0x3FD9]  }
0x89: {  	s3 =	sld [smem:$0x3FFE];
	_ =	sdelay $0x1  }
0x8a: {  	s1 =	srdreg.scid  }
0x8b: {  	s0 =	sand.u32 $0x1, s1  }
0x8c: {  	s16 =	sshll.u32 s0, $0xA;
	s2 =	sadd.s32 s3, s2  }
0x8d: {  	s2 =	sadd.s32 s2, s16  }
0x8e: {  	[smem:$0x3FBE] =	sst s2  }
0x8f: {  	_ = 	snop  }
0x90: {  	(tm) =	ssettm $0x1  }
0x91: {  	s17 =	sld [smem:$0x3FFB];
	_ =	sdelay $0x3  }
0x92: {  	_ =	strace s17  }
0x93: {  	s2 =	sld [smem:$0x3FFC];
	_ =	sdelay $0x3  }
0x94: {  	_ =	strace s2  }
0x95: {  	s2 =	sld [smem:$0x3FFD];
	_ =	sdelay $0x3  }
0x96: {  	_ =	strace s2  }
0x97: {  	_ =	strace $0x8FFFFFFF  }
0x98: {  	s18 =	sld [smem:$0x3FDB];
	_ =	sdelay $0x1  }
0x99: {  	s19 =	simm.s32 $_scs_section_size  }
0x9a: {  	s4 =	simm.s32 $_size__tile_overlayer_lowered;
	s5 =	simm.s32 $_tile_overlayer_lowered  }
0x9b: {  	s22 =	simm.s32 $0x1BFF;
	s21 =	sshll.u32 s5, $0x1;
	s2 =	sadd.s32 s19, s18  }
0x9c: {  	s6 =	simm.s32 $0x0;
	s20 =	sshll.u32 s4, $0x1;
	s4 =	sadd.s32 s21, s2  }
0x9d: {  	[timem:s6], [sflag:s22] =	dma.local [hbm:s4], s20  }
0x9e: {  	_ =	swait.ge [sflag:s22], s20  }
0x9f: {  	s3 =	ssub.s32 $0x0, s20;
	[sflag:s22] =	ssyncset.done $0x0  }
0xa0: {  	[sflag:s22] =	ssyncadd.s32 s3;
	_ =	sdelay $0x1  }
0xa1: {  	s23 =	simm.s32 $0x1B8B  }
0xa2: {  	_ =	swait.ge [sflag:s23], $0x1  }
0xa3: {  	[sflag:s23] =	ssyncset.done $0x0  }
0xa4: {  	s25 =	simm.s32 $0x1B8E;
	s24 =	sld [smem:$0x3FFE];
	[sflag:s23] =	ssyncadd.s32 $0xFFFFFFFF  }
0xa5: {  	s26 =	simm.s32 $execute0_lowered;
	[smem:$0x3FD2] =	sst s25  }
0xa6: {  	s4 =	sshll.u32 s26, $0x1;
	_ =	strace $0x8000004F;
	[dreg:$0x1] =	wrdreg $0xFFFFFFFF  }
0xa7: {  	s28 =	simm.s32 $_size_execute0_lowered;
	s2 =	sadd.s32 s2, s4;
	[dreg:$0x0] =	wrdreg $0x0  }
0xa8: {  	s4 =	sshll.u32 s28, $0x1;
	[dreg:$0x2] =	wrdreg s2  }
0xa9: {  	[dreg:$0x3] =	wrdreg s4  }
0xaa: {  	[dreg:$0x4] =	wrdreg $0xC0  }
0xab: {  	_ =	task [dreg:s6], $0x5FFFF  }
0xac: {  	[dreg:$0x1] =	wrdreg $0xFFFFFFFF  }
0xad: {  	[dreg:$0x0] =	wrdreg $0x60  }
0xae: {  	[dreg:$0x2] =	wrdreg s24  }
0xaf: {  	[dreg:$0x3] =	wrdreg $0x29000  }
0xb0: {  	[dreg:$0x4] =	wrdreg $0x9  }
0xb1: {  	_ =	task.clear_ibuf [dreg:s6], $0x5FFFF;
	_ =	strace $0x9000004F  }
0xb2: {  	s29 =	simm.s32 $0x9;
	_ =	strace $0x80000051  }
0xb3: {  	_ =	swait.ge [sflag:s29], $0x1  }
0xb4: {  	[sflag:s29] =	ssyncadd.s32 $0xFFFFFFFF  }
0xb5: {  	_ =	strace $0x90000051  }
0xb6: {  	_ =	sfence  }
0xb7: {  	s30 =	sld [smem:$0x0];
	_ =	sdelay $0x2  }
0xb8: {  	s31 =	sshll.u32 s1, $0xD;
	s1 =	sshrl.u32 s1, $0x2  }
0xb9: {  	s3 =	sand.u32 $0x4000, s31;
	s1 =	sadd.s32 s1, s30  }
0xba: {  	s0 =	sor.u32 s3, s0;
	s1 =	sshll.u32 s1, $0x11  }
0xbb: {  	s0 =	sor.u32 s1, s0  }
0xbc: {  	s0 =	sadd.s32 $0x8F2B, s0  }
0xbd: {  	[sflag:s0] =	ssyncadd.remote.s32 $0x1  }
0xbe: {  	_ =	sfence.sel $0xFFFF  }
0xbf: {  	[dreg:$0x0] =	wrdreg $0xFFFFFFFF;
	(pc) =	sbr.abs _section_cstart, $3  }
0xc0: {  	[dreg:$0x1] =	wrdreg $0xFFFFFFFF  }
0xc1: {  	_ =	task.clear_ibuf [dreg:s6], $0x2FFFF;
	_ =	strace $0x9FFFFFFF  }
0xc2: {  	(tm) =	ssettm $0x7FFFFFFF  }
0xc3: {  	_ =	shalt  }
tec
execute0_lowered:
.L_overlay_start_1:
0x0: {  	(tag) =	ssettag $0x1  }
0x1: {  	s6 =	rddreg [dreg:$0x0]  }
0x2: {  	s1 =	srdreg.scid;
	s0 =	stileid.u32  }
0x3: {  	s2 =	rddreg [dreg:$0x1];
	s4 =	smul.u32 $0x2710, s0  }
0x4: {  	s3 =	simm.s32 $0x0;
	s14 =	simm.s32 $0x50;
	s8 =	smul.u32 $0x4E2, s0  }
0x5: {  	s15 =	simm.s32 $0x100;
	s16 =	simm.s32 $0x1;
	s9 =	smul.u32 $0x2800, s0  }
0x6: {  	s7 =	sand.u32 $0x1, s1;
	s1 =	rddreg [dreg:$0x2];
	s28 =	smul.u32 $0x50000, s0  }
0x7: {  	s17 =	simm.s32 $0x0;
	[smem:$0x7FF] =	sst s3;
	s5 =	smul.u32 $0x27100, s7  }
0x8: {  	s31 =	sshll.u32 s0, $0x6;
	s10 =	smul.u32 $0x28000, s7;
	s7 =	ssub.s32 $0x2, s7  }
0x9: {  	_ =	strace $0x80000050;
	s12 =	sadd.s32 s8, s6;
	s29 =	sshrl.u32 s7, $0x1  }
0xa: {  	s8 =	sshrl.u32 s28, $0x2;
	s5 =	sadd.s32 s5, s4;
	s4 =	sadd.s32 $0x6C200, s6  }
0xb: {  	s9 =	sadd.s32 s9, s10;
	s30 =	ssub.s32 s7, s29;
	s13 =	sadd.s32 s8, s2  }
0xc: {  	s10 =	sadd.s32 $0x2C00, s12;
	s12 =	simm.s32 $0x2;
	s5 =	sshrl.u32 s5, $0x3  }
0xd: {  	s9 =	sadd.s32 s9, s6;
	s8 =	smax.u32 s30, $0x1;
	s11 =	sadd.s32 s5, s6  }
0xe: {  	s5 =	sadd.s32 $0xFC00, s6;
	s6 =	sor.u32 $0x1C02, s31;
	s7 =	sadd.s32 $0xBC200, s9  }
0xf: {  	s9 =	sadd.s32 $0x62400, s11;
	s11 =	sshrl.u32 s13, $0x3;
	s13 =	simm.s32 $0x80  }
.LBB2_1:
0x10: {  	[spmem:s11], [sflag:s6] =	dma.local [hbm:s5], $0x2800  }
0x11: {  	_ =	swait.ge [sflag:s12], $0x2800  }
0x12: {  	[sflag:s12] =	ssyncset.done $0x0  }
0x13: {  	[sflag:s12] =	ssyncadd.s32 $0xFFFFD800  }
0x14: {  	s18 =	sadd.s32 $0x0, s9;
	[bflag:$0x0] =	sbarrier.arrive $0xFFFF  }
0x15: {  	[tilespmem:s3], [sflag:$0x2] =	stream.linear.gather [hbm4b:s18+s3], $0x50, $0x38;
	[tilespmem:$0x16900] =	vst v63  }
0x16: {  	_ =	swait.ge [sflag:s12], $0x50  }
0x17: {  	[sflag:s12] =	ssyncset.done $0x0  }
0x18: {  	s31 =	sadd.s32 $0x0, s10;
	[sflag:s12] =	ssyncadd.s32 $0xFFFFFFB0  }
0x19: {  	[tilespmem:s13], [sflag:$0x2] =	stream.linear.gather [hbm4b:s31+s3], $0x50, $0x38;
	[tilespmem:$0x16900] =	vst v63  }
0x1a: {  	_ =	swait.ge [sflag:s12], $0x50  }
0x1b: {  	[sflag:s12] =	ssyncset.done $0x0  }
0x1c: {  	[sflag:s12] =	ssyncadd.s32 $0xFFFFFFB0  }
0x1d: {  	[tilespmem:s15], [sflag:$0x1] =	stream.indirect.gather [hbm4b:s4+s14], $0x80, s3, s14, $0xb8;
	[tilespmem:$0x16900] =	vst v63  }
0x1e: {  	_ =	swait.ge [sflag:s16], $0x2800  }
0x1f: {  	[sflag:s16] =	ssyncset.done $0x0  }
0x20: {  	[sflag:s16] =	ssyncadd.s32 $0xFFFFD800  }
0x21: {  	[spmem:s2] =	stream.indirect.scatter.add.f32 [tilespmem:s15], [sflag:$0x2], $0x80, s13, s14, $0xb8;
	[tilespmem:$0x16900] =	vst v63  }
0x22: {  	_ =	swait.ge [sflag:s12], $0x2800  }
0x23: {  	s19 =	simm.s32 $0x14;
	s18 =	simm.s32 $0xA;
	[sflag:s12] =	ssyncset.done $0x0  }
.LBB2_2:
0x24: {  	s20 =	sadd.s32 s18, s9  }
0x25: {  	[sflag:s12] =	ssyncadd.s32 $0xFFFFD800;
	s21 =	smov.u32 s19;
	s22 =	sadd.s32 $0xA, s19  }
0x26: {  	[tilespmem:s3], [sflag:$0x2] =	stream.linear.gather [hbm4b:s20+s3], $0x50, $0x38;
	[tilespmem:$0x16900] =	vst v63  }
0x27: {  	p0 =	sne.s32 s19, $0x4D8;
	_ =	swait.ge [sflag:s12], $0x50  }
0x28: {  	[sflag:s12] =	ssyncset.done $0x0  }
0x29: {  	s19 =	sadd.s32 s18, s10;
	s18 =	smov.u32 s21;
	[sflag:s12] =	ssyncadd.s32 $0xFFFFFFB0  }
0x2a: {  	[tilespmem:s13], [sflag:$0x2] =	stream.linear.gather [hbm4b:s19+s3], $0x50, $0x38;
	[tilespmem:$0x16900] =	vst v63  }
0x2b: {  	_ =	swait.ge [sflag:s12], $0x50  }
0x2c: {  	[sflag:s12] =	ssyncset.done $0x0  }
0x2d: {  	[sflag:s12] =	ssyncadd.s32 $0xFFFFFFB0  }
0x2e: {  	[tilespmem:s15], [sflag:$0x1] =	stream.indirect.gather [hbm4b:s4+s14], $0x80, s3, s14, $0xb8;
	[tilespmem:$0x16900] =	vst v63  }
0x2f: {  	_ =	swait.ge [sflag:s16], $0x2800  }
.Ltmp0:
0x30: {  	[sflag:s16] =	ssyncset.done $0x0;
	(pc) =	sbr.rel @p0 .LBB2_2-.Ltmp0, $4  }
0x31: {  	[sflag:s16] =	ssyncadd.s32 $0xFFFFD800  }
0x32: {  	[spmem:s2] =	stream.indirect.scatter.add.f32 [tilespmem:s15], [sflag:$0x2], $0x80, s13, s14, $0xb8;
	[tilespmem:$0x16900] =	vst v63  }
0x33: {  	_ =	swait.ge [sflag:s12], $0x2800  }
0x34: {  	s19 =	smov.u32 s22;
	[sflag:s12] =	ssyncset.done $0x0  }
0x35: {  	s19 =	sadd.s32 s18, s9;
	[sflag:s12] =	ssyncadd.s32 $0xFFFFD800  }
0x36: {  	[tilespmem:s3], [sflag:$0x2] =	stream.linear.gather [hbm4b:s19+s3], $0x50, $0x38;
	[tilespmem:$0x16900] =	vst v63  }
0x37: {  	_ =	swait.ge [sflag:s12], $0x50  }
0x38: {  	[sflag:s12] =	ssyncset.done $0x0  }
0x39: {  	s31 =	sadd.s32 s18, s10;
	[sflag:s12] =	ssyncadd.s32 $0xFFFFFFB0  }
0x3a: {  	[tilespmem:s13], [sflag:$0x2] =	stream.linear.gather [hbm4b:s31+s3], $0x50, $0x38;
	[tilespmem:$0x16900] =	vst v63  }
0x3b: {  	_ =	swait.ge [sflag:s12], $0x50  }
0x3c: {  	[sflag:s12] =	ssyncset.done $0x0  }
0x3d: {  	[sflag:s12] =	ssyncadd.s32 $0xFFFFFFB0  }
0x3e: {  	[tilespmem:s15], [sflag:$0x1] =	stream.indirect.gather [hbm4b:s4+s14], $0x80, s3, s14, $0xb8;
	[tilespmem:$0x16900] =	vst v63  }
0x3f: {  	_ =	swait.ge [sflag:s16], $0x2800  }
0x40: {  	[sflag:s16] =	ssyncset.done $0x0  }
0x41: {  	[sflag:s16] =	ssyncadd.s32 $0xFFFFD800  }
0x42: {  	[spmem:s2] =	stream.indirect.scatter.add.f32 [tilespmem:s15], [sflag:$0x2], $0x80, s13, s14, $0xb8;
	[tilespmem:$0x16900] =	vst v63  }
0x43: {  	_ =	swait.ge [sflag:s12], $0x2800  }
0x44: {  	s17 =	sadd.s32 $0x1, s17;
	[sflag:s12] =	ssyncset.done $0x0  }
0x45: {  	p0 =	sne.s32 s17, s8;
	[sflag:s12] =	ssyncadd.s32 $0xFFFFD800  }
.Ltmp1:
0x46: {  	[bflag:$0x0] =	sbarrier.arrive $0xFFFF;
	(pc) =	sbr.rel @p0 .LBB2_1-.Ltmp1, $4  }
0x47: {  	[hbm:s7], [sflag:s6] =	dma.local [spmem:s11], $0x2800  }
0x48: {  	_ =	swait.ge [sflag:s12], $0x2800  }
0x49: {  	[sflag:s12] =	ssyncset.done $0x0  }
0x4a: {  	[sflag:s12] =	ssyncadd.s32 $0xFFFFD800  }
0x4b: {  	_ =	sfence.sel $0x180000  }
0x4c: {  	[bflag:$0x0] =	sbarrier.arrive $0xFFFF  }
0x4d: {  	p0 =	sne.s32 s0, $0x0;
	_ =	strace $0x90000050  }
0x4e: {  	s0 =	sadd.s32 @!p0 $0x100000, s1;
	[bflag:$0x2] =	sbarrier.arrive $0xFFFF  }
0x4f: {  	[sflag:s0] =	ssyncadd.tile.s32 @!p0 $0x1;
	_ =	shalt  }
.Lfunc_end2:
_tile_overlayer_lowered:
.L_overlay_start_2:
0x50: {  	(tag) =	ssettag $0x2  }
0x51: {  	s0 =	rddreg [dreg:$0x0];
	s2 =	stileid.u32  }
0x52: {  	s1 =	rddreg [dreg:$0x1];
	p0 =	sne.s32 s2, $0x0  }
0x53: {  	s3 =	rddreg [dreg:$0x2];
	[bflag:$0x3] =	sbarrier.arrive $0xFFFF;
	s2 =	simm.s32 @!p0 $0x1C02  }
0x54: {  	[timem:s3], [sflag:s2] =	dma.local @!p0 [hbm:s0], s1  }
0x55: {  	s0 =	simm.s32 @!p0 $0x2  }
0x56: {  	_ =	swait.ge @!p0 [sflag:s0], s1  }
0x57: {  	s1 =	ssub.s32 @!p0 $0x0, s1;
	[sflag:s0] =	ssyncset.done @!p0 $0x0  }
0x58: {  	[sflag:s0] =	ssyncadd.s32 @!p0 s1  }
0x59: {  	[bflag:$0x3] =	sbarrier.arrive $0xFFFF  }
0x5a: {  	_ =	shalt  }

</sc_bundles>
